<compile_context>
chip_gen: v7x
topology: tpu7x:2x2x1
jax: 0.10.2.dev20260603
libtpu: 0.0.44.dev20260713+nightly
codegen_flags: <defaults>
</compile_context>

<pallas_src>
import functools

import jax
import jax.numpy as jnp
from jax import lax
from jax.experimental import pallas as pl
from jax.experimental.pallas import tpu as pltpu
from jax.experimental.pallas import tpu_sc as plsc

NV, NE, NNZ, C = 10000, 5000, 320000, 128
NW = 32
PER_TILE = 10240
CHUNK = 128
NCHUNK = PER_TILE // CHUNK
PAD_NNZ = NW * PER_TILE
NBUF = 2
NIDX = 2 * NBUF
VACC = 10112
ROWS_PT = VACC // 16


@functools.cache
def _sc_agg():
    mesh = plsc.VectorSubcoreMesh(core_axis_name="c", subcore_axis_name="s",
                                  num_cores=2, num_subcores=16)

    def body(*refs):
        gsems = refs[-NBUF - NIDX:-NIDX]
        isems = refs[-NIDX:]
        (x_hbm, gidx_hbm, sidx_hbm, zrow_hbm, zhist_hbm,
         feat_hbm, deg_hbm,
         gring, sring, rows_v, hist_v, acc_sh) = refs[:-NBUF - NIDX]
        c = lax.axis_index("c")
        s = lax.axis_index("s")
        wid = s * 2 + c
        pltpu.sync_copy(zhist_hbm, hist_v)
        pltpu.sync_copy(zrow_hbm.at[pl.ds(s * ROWS_PT, ROWS_PT)],
                        acc_sh.at[pl.ds(s * ROWS_PT, ROWS_PT)])
        plsc.subcore_barrier()

        ones16 = jnp.ones((16,), jnp.float32)

        def start_idx(i, j):
            pltpu.async_copy(gidx_hbm.at[wid].at[i], gring.at[j], isems[j])
            pltpu.async_copy(sidx_hbm.at[wid].at[i], sring.at[j], isems[j])

        def wait_idx(i, j):
            pltpu.make_async_copy(gidx_hbm.at[wid].at[i], gring.at[j],
                                  isems[j]).wait()
            pltpu.make_async_copy(sidx_hbm.at[wid].at[i], sring.at[j],
                                  isems[j]).wait()

        def start_gather(j, b):
            pltpu.async_copy(x_hbm.at[gring.at[j]], rows_v.at[b], gsems[b])

        def wait_gather(j, b):
            pltpu.make_async_copy(x_hbm.at[gring.at[j]], rows_v.at[b],
                                  gsems[b]).wait()

        for j in range(NIDX):
            start_idx(j, j)
        for b in range(NBUF):
            wait_idx(b, b)
            start_gather(b, b)

        def group(g, carry):
            for j in range(NIDX):
                i = g * NIDX + j
                b = j % NBUF
                for jj in range(CHUNK // 16):
                    s16 = sring[j, pl.ds(jj * 16, 16)]
                    plsc.addupdate_scatter(hist_v, [s16], ones16)
                wait_gather(j, b)
                pltpu.sync_copy(rows_v.at[b], acc_sh.at[sring.at[j]],
                                add=True)

                @pl.when(i + NIDX < NCHUNK)
                def _():
                    start_idx(i + NIDX, j)

                @pl.when(i + NBUF < NCHUNK)
                def _():
                    jn = (j + NBUF) % NIDX
                    wait_idx(i + NBUF, jn)
                    start_gather(jn, b)
            return carry

        lax.fori_loop(0, NCHUNK // NIDX, group, 0)
        plsc.subcore_barrier()
        pltpu.sync_copy(acc_sh.at[pl.ds(s * ROWS_PT, ROWS_PT)],
                        feat_hbm.at[c].at[pl.ds(s * ROWS_PT, ROWS_PT)])
        pltpu.sync_copy(hist_v, deg_hbm.at[wid])

    return pl.kernel(
        body,
        out_type=[
            jax.ShapeDtypeStruct((2, VACC, C), jnp.float32),
            jax.ShapeDtypeStruct((NW, VACC), jnp.float32),
        ],
        mesh=mesh,
        compiler_params=pltpu.CompilerParams(needs_layout_passes=False),
        scratch_types=[
            pltpu.VMEM((NIDX, CHUNK), jnp.int32),
            pltpu.VMEM((NIDX, CHUNK), jnp.int32),
            pltpu.VMEM((NBUF, CHUNK, C), jnp.float32),
            pltpu.VMEM((VACC,), jnp.float32),
            pltpu.VMEM_SHARED((VACC, C), jnp.float32),
        ] + [pltpu.SemaphoreType.DMA] * (NBUF + NIDX),
    )


def _tc_update(feat_ref, degT_ref, wcol_ref, w_ref, b_ref, out_ref):
    a = feat_ref[0] + feat_ref[1]
    d = jnp.sum(degT_ref[...], axis=1, keepdims=True)
    mask = d > 0.0
    inv = jnp.where(mask, 1.0 / jnp.where(mask, d, 1.0), 0.0)
    mean_pre = a * inv
    out = jnp.dot(mean_pre, w_ref[...], preferred_element_type=jnp.float32)
    out = jnp.where(mask, out + b_ref[...], 0.0)
    out_ref[...] = jnp.maximum(wcol_ref[...] * out, 0.0)


def kernel(X, edge_ids, node_ids, W_v2e, b_v2e, W_e2v, b_e2v, e_weight):
    f32 = jnp.float32
    i32 = jnp.int32
    pad = PAD_NNZ - NNZ
    shp = (NW, NCHUNK, CHUNK)

    nid_p = jnp.concatenate([node_ids, jnp.full((pad,), NV, i32)]).reshape(shp)
    eid_p = jnp.concatenate([edge_ids, jnp.full((pad,), NE, i32)]).reshape(shp)
    X_pad = jnp.concatenate([X, jnp.zeros((VACC - NV, C), f32)], axis=0)

    zrow = jnp.zeros((VACC, C), f32)
    zhist = jnp.zeros((VACC,), f32)
    agg = _sc_agg()
    tc = pl.pallas_call(
        _tc_update, out_shape=jax.ShapeDtypeStruct((VACC, C), f32))

    ew_col = jnp.concatenate(
        [e_weight, jnp.zeros((VACC - NE,), f32)]).reshape(VACC, 1)

    def step(x, per):
        gidx, sidx, wcol, w, b = per
        feat, deg = agg(x, gidx, sidx, zrow, zhist)
        return tc(feat, jnp.transpose(deg), wcol, w, b), ()

    xs = (jnp.stack([nid_p, eid_p]),
          jnp.stack([eid_p, nid_p]),
          jnp.stack([ew_col, jnp.ones((VACC, 1), f32)]),
          jnp.stack([W_v2e, W_e2v]),
          jnp.stack([b_v2e.reshape(1, C), b_e2v.reshape(1, C)]))
    x_final, _ = lax.scan(step, X_pad, xs)
    return x_final[:NV]

# --- scband reference (transcript-rebuilt; emitter-appended) ---
"""Pipeline reference for scband-hnhnconv-12859132084308 (READ-ONLY COPY).

The authoritative reference and input builder live on the scoring server;
editing this copy changes nothing except your own understanding.
"""

import jax, jax.numpy as jnp
import numpy as np

N_V = 10000
N_E = 5000
NNZ = 320000
C_IN = 128
C_OUT = 128


def setup_inputs(seed: int = 0) -> dict:
    key = jax.random.key(seed)
    k_x, k_e, k_n, k_w1, k_w2 = jax.random.split(key, 5)
    X = jax.random.normal(k_x, (N_V, C_IN), dtype=jnp.float32)
    # Hypergraph incidence structure (module state H_T in the torch module):
    # each of the NNZ incidences connects vertex node_ids[i] to hyperedge edge_ids[i].
    edge_ids = jax.random.randint(k_e, (NNZ,), 0, N_E, dtype=jnp.int32)
    node_ids = jax.random.randint(k_n, (NNZ,), 0, N_V, dtype=jnp.int32)
    # Learned parameters (theta_v2e, theta_e2v linear layers)
    W_v2e = jax.random.normal(k_w1, (C_IN, C_OUT), dtype=jnp.float32) * (1.0 / np.sqrt(C_IN))
    b_v2e = jnp.zeros((C_OUT,), dtype=jnp.float32)
    W_e2v = jax.random.normal(k_w2, (C_OUT, C_OUT), dtype=jnp.float32) * (1.0 / np.sqrt(C_OUT))
    b_e2v = jnp.zeros((C_OUT,), dtype=jnp.float32)
    # Hyperedge weights W_e (diagonal, defaults to ones in dhg)
    e_weight = jnp.ones((N_E,), dtype=jnp.float32)
    return {"X": X, "edge_ids": edge_ids, "node_ids": node_ids,
            "W_v2e": W_v2e, "b_v2e": b_v2e, "W_e2v": W_e2v, "b_e2v": b_e2v,
            "e_weight": e_weight}


def reference(X, edge_ids, node_ids, W_v2e, b_v2e, W_e2v, b_e2v, e_weight):
    n_v = X.shape[0]
    n_e = e_weight.shape[0]
    # theta_v2e
    X1 = X @ W_v2e + b_v2e
    # v2e aggregation (mean): H_T @ X then D_e^{-1} scaling
    msgs_e = X1[node_ids]  # gather vertex features per incidence
    sum_e = jax.ops.segment_sum(msgs_e, edge_ids, num_segments=n_e)
    deg_e = jax.ops.segment_sum(jnp.ones((edge_ids.shape[0],), dtype=X.dtype), edge_ids, num_segments=n_e)
    inv_deg_e = jnp.where(deg_e > 0, 1.0 / deg_e, 0.0)
    mean_e = sum_e * inv_deg_e[:, None]
    # v2e update: W_e (diag hyperedge weights) multiply, then ReLU
    Y = jax.nn.relu(e_weight[:, None] * mean_e)
    # theta_e2v
    Y2 = Y @ W_e2v + b_e2v
    # e2v aggregation (mean): H @ Y then D_v^{-1} scaling
    msgs_v = Y2[edge_ids]  # gather hyperedge features per incidence
    sum_v = jax.ops.segment_sum(msgs_v, node_ids, num_segments=n_v)
    deg_v = jax.ops.segment_sum(jnp.ones((node_ids.shape[0],), dtype=X.dtype), node_ids, num_segments=n_v)
    inv_deg_v = jnp.where(deg_v > 0, 1.0 / deg_v, 0.0)
    X_out = sum_v * inv_deg_v[:, None]
    # not is_last: act + dropout (dropout is identity in eval mode)
    X_out = jax.nn.relu(X_out)
    return X_out

if __name__ == "__main__":
    import jax
    _d = setup_inputs()
    print(jax.jit(kernel)(*tuple(_d.values())))

</pallas_src>

<mosaic_0001>
#map = affine_map<(d0, d1) -> (0, 0)>
#map1 = affine_map<(d0, d1) -> (0, 0, 0)>
#map2 = affine_map<(d0, d1) -> (0)>
module attributes {stable_mosaic.version = 14 : i64} {
  func.func @body(%arg0: i32, %arg1: i32, %arg2: memref<10112x128xf32, #tpu.memory_space<hbm>>, %arg3: memref<32x80x128xi32, #tpu.memory_space<hbm>>, %arg4: memref<32x80x128xi32, #tpu.memory_space<hbm>>, %arg5: memref<10112x128xf32, #tpu.memory_space<hbm>>, %arg6: memref<10112xf32, #tpu.memory_space<hbm>>, %arg7: memref<2x10112x128xf32, #tpu.memory_space<hbm>>, %arg8: memref<32x10112xf32, #tpu.memory_space<hbm>>, %arg9: memref<4x128xi32, #tpu.memory_space<vmem>>, %arg10: memref<4x128xi32, #tpu.memory_space<vmem>>, %arg11: memref<2x128x128xf32, #tpu.memory_space<vmem>>, %arg12: memref<10112xf32, #tpu.memory_space<vmem>>, %arg13: memref<10112x128xf32, #tpu.memory_space<vmem_shared>>, %arg14: memref<!tpu.dma_semaphore, #tpu.memory_space<semaphore_mem>>, %arg15: memref<!tpu.dma_semaphore, #tpu.memory_space<semaphore_mem>>, %arg16: memref<!tpu.dma_semaphore, #tpu.memory_space<semaphore_mem>>, %arg17: memref<!tpu.dma_semaphore, #tpu.memory_space<semaphore_mem>>, %arg18: memref<!tpu.dma_semaphore, #tpu.memory_space<semaphore_mem>>, %arg19: memref<!tpu.dma_semaphore, #tpu.memory_space<semaphore_mem>>) attributes {dimension_semantics = [#tpu.dimension_semantics<core_parallel>, #tpu.dimension_semantics<subcore_parallel>], iteration_bounds = array<i64: 2, 16>, scalar_prefetch = 0 : i64, scratch_operands = 11 : i64, tpu.core_type = #tpu.core_type<sc_vector_subcore>, window_params = [{transform_indices = #map}, {transform_indices = #map1}, {transform_indices = #map1}, {transform_indices = #map}, {transform_indices = #map2}, {transform_indices = #map1}, {transform_indices = #map}]} {
    %mul3A = arith.constant 2 : i32
    %mul3A_0 = arith.muli %arg1, %mul3A : i32
    %add3A = arith.addi %mul3A_0, %arg0 : i32
    "tpu.region"() ({
      %run_scoped3A = tpu.sem_alloc : memref<!tpu.dma_semaphore, #tpu.memory_space<semaphore_mem>>
      tpu.enqueue_dma source(%arg6 : memref<10112xf32, #tpu.memory_space<hbm>>) target(%arg12 : memref<10112xf32, #tpu.memory_space<vmem>>) target_semaphore(%run_scoped3A : memref<!tpu.dma_semaphore, #tpu.memory_space<semaphore_mem>>)
      tpu.wait_dma2 semaphore(%run_scoped3A : memref<!tpu.dma_semaphore, #tpu.memory_space<semaphore_mem>>) src(%arg6 : memref<10112xf32, #tpu.memory_space<hbm>>) dst(%arg12 : memref<10112xf32, #tpu.memory_space<vmem>>)
      tpu.yield
    }) : () -> ()
    %mul3A_1 = arith.constant 632 : i32
    %mul3A_2 = arith.muli %arg1, %mul3A_1 : i32
    %mul3A_3 = arith.constant 632 : i32
    %mul3A_4 = arith.muli %arg1, %mul3A_3 : i32
    "tpu.region"() ({
      %run_scoped3A = tpu.sem_alloc : memref<!tpu.dma_semaphore, #tpu.memory_space<semaphore_mem>>
      %dma_start3A_302 = arith.constant 0 : i32
      %dma_start3A_303 = tpu.memref_slice %arg13[%mul3A_4, %dma_start3A_302] : memref<10112x128xf32, #tpu.memory_space<vmem_shared>> -> memref<632x128xf32, #tpu.memory_space<vmem_shared>>
      %dma_start3A_304 = arith.constant 0 : i32
      %dma_start3A_305 = tpu.memref_slice %arg5[%mul3A_2, %dma_start3A_304] : memref<10112x128xf32, #tpu.memory_space<hbm>> -> memref<632x128xf32, #tpu.memory_space<hbm>>
      tpu.enqueue_dma source(%dma_start3A_305 : memref<632x128xf32, #tpu.memory_space<hbm>>) target(%dma_start3A_303 : memref<632x128xf32, #tpu.memory_space<vmem_shared>>) target_semaphore(%run_scoped3A : memref<!tpu.dma_semaphore, #tpu.memory_space<semaphore_mem>>)
      %dma_wait3A_306 = arith.constant 0 : i32
      %dma_wait3A_307 = tpu.memref_slice %arg13[%mul3A_4, %dma_wait3A_306] : memref<10112x128xf32, #tpu.memory_space<vmem_shared>> -> memref<632x128xf32, #tpu.memory_space<vmem_shared>>
      %dma_wait3A_308 = arith.constant 0 : i32
      %dma_wait3A_309 = tpu.memref_slice %arg5[%mul3A_2, %dma_wait3A_308] : memref<10112x128xf32, #tpu.memory_space<hbm>> -> memref<632x128xf32, #tpu.memory_space<hbm>>
      tpu.wait_dma2 semaphore(%run_scoped3A : memref<!tpu.dma_semaphore, #tpu.memory_space<semaphore_mem>>) src(%dma_wait3A_309 : memref<632x128xf32, #tpu.memory_space<hbm>>) dst(%dma_wait3A_307 : memref<632x128xf32, #tpu.memory_space<vmem_shared>>)
      tpu.yield
    }) : () -> ()
    %barrier3A = arith.constant 0 : index
    tpu.barrier barrier_id(%barrier3A)
    %broadcast_in_dim3A = arith.constant 1.000000e+00 : f32
    %broadcast_in_dim3A_5 = vector.broadcast %broadcast_in_dim3A : f32 to vector<16xf32>
    %dma_start3A = arith.constant 0 : i32
    %dma_start3A_6 = arith.constant 0 : i32
    %dma_start3A_7 = arith.constant 0 : i32
    %dma_start3A_8 = tpu.memref_slice %arg9[%dma_start3A_6, %dma_start3A_7] : memref<4x128xi32, #tpu.memory_space<vmem>> -> memref<1x128xi32, #tpu.memory_space<vmem>>
    %dma_start3A_9 = tpu.memref_squeeze %dma_start3A_8 : memref<1x128xi32, #tpu.memory_space<vmem>> -> memref<128xi32, #tpu.memory_space<vmem>>
    %dma_start3A_10 = arith.constant 0 : i32
    %dma_start3A_11 = arith.constant 0 : i32
    %dma_start3A_12 = tpu.memref_slice %arg3[%add3A, %dma_start3A_10, %dma_start3A_11] : memref<32x80x128xi32, #tpu.memory_space<hbm>> -> memref<1x80x128xi32, #tpu.memory_space<hbm>>
    %dma_start3A_13 = tpu.memref_squeeze %dma_start3A_12 : memref<1x80x128xi32, #tpu.memory_space<hbm>> -> memref<80x128xi32, #tpu.memory_space<hbm>>
    %dma_start3A_14 = arith.constant 0 : i32
    %dma_start3A_15 = tpu.memref_slice %dma_start3A_13[%dma_start3A, %dma_start3A_14] : memref<80x128xi32, #tpu.memory_space<hbm>> -> memref<1x128xi32, #tpu.memory_space<hbm>>
    %dma_start3A_16 = tpu.memref_squeeze %dma_start3A_15 : memref<1x128xi32, #tpu.memory_space<hbm>> -> memref<128xi32, #tpu.memory_space<hbm>>
    %dma_start3A_17 = arith.constant 0 : i32
    %dma_start3A_18 = tpu.memref_slice %arg9[%dma_start3A_6, %dma_start3A_17] : memref<4x128xi32, #tpu.memory_space<vmem>> -> memref<1x128xi32, #tpu.memory_space<vmem>>
    %dma_start3A_19 = tpu.memref_squeeze %dma_start3A_18 : memref<1x128xi32, #tpu.memory_space<vmem>> -> memref<128xi32, #tpu.memory_space<vmem>>
    %dma_start3A_20 = arith.constant 0 : i32
    %dma_start3A_21 = arith.constant 0 : i32
    %dma_start3A_22 = tpu.memref_slice %arg3[%add3A, %dma_start3A_20, %dma_start3A_21] : memref<32x80x128xi32, #tpu.memory_space<hbm>> -> memref<1x80x128xi32, #tpu.memory_space<hbm>>
    %dma_start3A_23 = tpu.memref_squeeze %dma_start3A_22 : memref<1x80x128xi32, #tpu.memory_space<hbm>> -> memref<80x128xi32, #tpu.memory_space<hbm>>
    %dma_start3A_24 = arith.constant 0 : i32
    %dma_start3A_25 = tpu.memref_slice %dma_start3A_23[%dma_start3A, %dma_start3A_24] : memref<80x128xi32, #tpu.memory_space<hbm>> -> memref<1x128xi32, #tpu.memory_space<hbm>>
    %dma_start3A_26 = tpu.memref_squeeze %dma_start3A_25 : memref<1x128xi32, #tpu.memory_space<hbm>> -> memref<128xi32, #tpu.memory_space<hbm>>
    tpu.enqueue_dma source(%dma_start3A_26 : memref<128xi32, #tpu.memory_space<hbm>>) target(%dma_start3A_19 : memref<128xi32, #tpu.memory_space<vmem>>) target_semaphore(%arg16 : memref<!tpu.dma_semaphore, #tpu.memory_space<semaphore_mem>>)
    %dma_start3A_27 = arith.constant 0 : i32
    %dma_start3A_28 = arith.constant 0 : i32
    %dma_start3A_29 = arith.constant 0 : i32
    %dma_start3A_30 = tpu.memref_slice %arg10[%dma_start3A_28, %dma_start3A_29] : memref<4x128xi32, #tpu.memory_space<vmem>> -> memref<1x128xi32, #tpu.memory_space<vmem>>
    %dma_start3A_31 = tpu.memref_squeeze %dma_start3A_30 : memref<1x128xi32, #tpu.memory_space<vmem>> -> memref<128xi32, #tpu.memory_space<vmem>>
    %dma_start3A_32 = arith.constant 0 : i32
    %dma_start3A_33 = arith.constant 0 : i32
    %dma_start3A_34 = tpu.memref_slice %arg4[%add3A, %dma_start3A_32, %dma_start3A_33] : memref<32x80x128xi32, #tpu.memory_space<hbm>> -> memref<1x80x128xi32, #tpu.memory_space<hbm>>
    %dma_start3A_35 = tpu.memref_squeeze %dma_start3A_34 : memref<1x80x128xi32, #tpu.memory_space<hbm>> -> memref<80x128xi32, #tpu.memory_space<hbm>>
    %dma_start3A_36 = arith.constant 0 : i32
    %dma_start3A_37 = tpu.memref_slice %dma_start3A_35[%dma_start3A_27, %dma_start3A_36] : memref<80x128xi32, #tpu.memory_space<hbm>> -> memref<1x128xi32, #tpu.memory_space<hbm>>
    %dma_start3A_38 = tpu.memref_squeeze %dma_start3A_37 : memref<1x128xi32, #tpu.memory_space<hbm>> -> memref<128xi32, #tpu.memory_space<hbm>>
    %dma_start3A_39 = arith.constant 0 : i32
    %dma_start3A_40 = tpu.memref_slice %arg10[%dma_start3A_28, %dma_start3A_39] : memref<4x128xi32, #tpu.memory_space<vmem>> -> memref<1x128xi32, #tpu.memory_space<vmem>>
    %dma_start3A_41 = tpu.memref_squeeze %dma_start3A_40 : memref<1x128xi32, #tpu.memory_space<vmem>> -> memref<128xi32, #tpu.memory_space<vmem>>
    %dma_start3A_42 = arith.constant 0 : i32
    %dma_start3A_43 = arith.constant 0 : i32
    %dma_start3A_44 = tpu.memref_slice %arg4[%add3A, %dma_start3A_42, %dma_start3A_43] : memref<32x80x128xi32, #tpu.memory_space<hbm>> -> memref<1x80x128xi32, #tpu.memory_space<hbm>>
    %dma_start3A_45 = tpu.memref_squeeze %dma_start3A_44 : memref<1x80x128xi32, #tpu.memory_space<hbm>> -> memref<80x128xi32, #tpu.memory_space<hbm>>
    %dma_start3A_46 = arith.constant 0 : i32
    %dma_start3A_47 = tpu.memref_slice %dma_start3A_45[%dma_start3A_27, %dma_start3A_46] : memref<80x128xi32, #tpu.memory_space<hbm>> -> memref<1x128xi32, #tpu.memory_space<hbm>>
    %dma_start3A_48 = tpu.memref_squeeze %dma_start3A_47 : memref<1x128xi32, #tpu.memory_space<hbm>> -> memref<128xi32, #tpu.memory_space<hbm>>
    tpu.enqueue_dma source(%dma_start3A_48 : memref<128xi32, #tpu.memory_space<hbm>>) target(%dma_start3A_41 : memref<128xi32, #tpu.memory_space<vmem>>) target_semaphore(%arg16 : memref<!tpu.dma_semaphore, #tpu.memory_space<semaphore_mem>>)
    %dma_start3A_49 = arith.constant 1 : i32
    %dma_start3A_50 = arith.constant 1 : i32
    %dma_start3A_51 = arith.constant 0 : i32
    %dma_start3A_52 = tpu.memref_slice %arg9[%dma_start3A_50, %dma_start3A_51] : memref<4x128xi32, #tpu.memory_space<vmem>> -> memref<1x128xi32, #tpu.memory_space<vmem>>
    %dma_start3A_53 = tpu.memref_squeeze %dma_start3A_52 : memref<1x128xi32, #tpu.memory_space<vmem>> -> memref<128xi32, #tpu.memory_space<vmem>>
    %dma_start3A_54 = arith.constant 0 : i32
    %dma_start3A_55 = arith.constant 0 : i32
    %dma_start3A_56 = tpu.memref_slice %arg3[%add3A, %dma_start3A_54, %dma_start3A_55] : memref<32x80x128xi32, #tpu.memory_space<hbm>> -> memref<1x80x128xi32, #tpu.memory_space<hbm>>
    %dma_start3A_57 = tpu.memref_squeeze %dma_start3A_56 : memref<1x80x128xi32, #tpu.memory_space<hbm>> -> memref<80x128xi32, #tpu.memory_space<hbm>>
    %dma_start3A_58 = arith.constant 0 : i32
    %dma_start3A_59 = tpu.memref_slice %dma_start3A_57[%dma_start3A_49, %dma_start3A_58] : memref<80x128xi32, #tpu.memory_space<hbm>> -> memref<1x128xi32, #tpu.memory_space<hbm>>
    %dma_start3A_60 = tpu.memref_squeeze %dma_start3A_59 : memref<1x128xi32, #tpu.memory_space<hbm>> -> memref<128xi32, #tpu.memory_space<hbm>>
    %dma_start3A_61 = arith.constant 0 : i32
    %dma_start3A_62 = tpu.memref_slice %arg9[%dma_start3A_50, %dma_start3A_61] : memref<4x128xi32, #tpu.memory_space<vmem>> -> memref<1x128xi32, #tpu.memory_space<vmem>>
    %dma_start3A_63 = tpu.memref_squeeze %dma_start3A_62 : memref<1x128xi32, #tpu.memory_space<vmem>> -> memref<128xi32, #tpu.memory_space<vmem>>
    %dma_start3A_64 = arith.constant 0 : i32
    %dma_start3A_65 = arith.constant 0 : i32
    %dma_start3A_66 = tpu.memref_slice %arg3[%add3A, %dma_start3A_64, %dma_start3A_65] : memref<32x80x128xi32, #tpu.memory_space<hbm>> -> memref<1x80x128xi32, #tpu.memory_space<hbm>>
    %dma_start3A_67 = tpu.memref_squeeze %dma_start3A_66 : memref<1x80x128xi32, #tpu.memory_space<hbm>> -> memref<80x128xi32, #tpu.memory_space<hbm>>
    %dma_start3A_68 = arith.constant 0 : i32
    %dma_start3A_69 = tpu.memref_slice %dma_start3A_67[%dma_start3A_49, %dma_start3A_68] : memref<80x128xi32, #tpu.memory_space<hbm>> -> memref<1x128xi32, #tpu.memory_space<hbm>>
    %dma_start3A_70 = tpu.memref_squeeze %dma_start3A_69 : memref<1x128xi32, #tpu.memory_space<hbm>> -> memref<128xi32, #tpu.memory_space<hbm>>
    tpu.enqueue_dma source(%dma_start3A_70 : memref<128xi32, #tpu.memory_space<hbm>>) target(%dma_start3A_63 : memref<128xi32, #tpu.memory_space<vmem>>) target_semaphore(%arg17 : memref<!tpu.dma_semaphore, #tpu.memory_space<semaphore_mem>>)
    %dma_start3A_71 = arith.constant 1 : i32
    %dma_start3A_72 = arith.constant 1 : i32
    %dma_start3A_73 = arith.constant 0 : i32
    %dma_start3A_74 = tpu.memref_slice %arg10[%dma_start3A_72, %dma_start3A_73] : memref<4x128xi32, #tpu.memory_space<vmem>> -> memref<1x128xi32, #tpu.memory_space<vmem>>
    %dma_start3A_75 = tpu.memref_squeeze %dma_start3A_74 : memref<1x128xi32, #tpu.memory_space<vmem>> -> memref<128xi32, #tpu.memory_space<vmem>>
    %dma_start3A_76 = arith.constant 0 : i32
    %dma_start3A_77 = arith.constant 0 : i32
    %dma_start3A_78 = tpu.memref_slice %arg4[%add3A, %dma_start3A_76, %dma_start3A_77] : memref<32x80x128xi32, #tpu.memory_space<hbm>> -> memref<1x80x128xi32, #tpu.memory_space<hbm>>
    %dma_start3A_79 = tpu.memref_squeeze %dma_start3A_78 : memref<1x80x128xi32, #tpu.memory_space<hbm>> -> memref<80x128xi32, #tpu.memory_space<hbm>>
    %dma_start3A_80 = arith.constant 0 : i32
    %dma_start3A_81 = tpu.memref_slice %dma_start3A_79[%dma_start3A_71, %dma_start3A_80] : memref<80x128xi32, #tpu.memory_space<hbm>> -> memref<1x128xi32, #tpu.memory_space<hbm>>
    %dma_start3A_82 = tpu.memref_squeeze %dma_start3A_81 : memref<1x128xi32, #tpu.memory_space<hbm>> -> memref<128xi32, #tpu.memory_space<hbm>>
    %dma_start3A_83 = arith.constant 0 : i32
    %dma_start3A_84 = tpu.memref_slice %arg10[%dma_start3A_72, %dma_start3A_83] : memref<4x128xi32, #tpu.memory_space<vmem>> -> memref<1x128xi32, #tpu.memory_space<vmem>>
    %dma_start3A_85 = tpu.memref_squeeze %dma_start3A_84 : memref<1x128xi32, #tpu.memory_space<vmem>> -> memref<128xi32, #tpu.memory_space<vmem>>
    %dma_start3A_86 = arith.constant 0 : i32
    %dma_start3A_87 = arith.constant 0 : i32
    %dma_start3A_88 = tpu.memref_slice %arg4[%add3A, %dma_start3A_86, %dma_start3A_87] : memref<32x80x128xi32, #tpu.memory_space<hbm>> -> memref<1x80x128xi32, #tpu.memory_space<hbm>>
    %dma_start3A_89 = tpu.memref_squeeze %dma_start3A_88 : memref<1x80x128xi32, #tpu.memory_space<hbm>> -> memref<80x128xi32, #tpu.memory_space<hbm>>
    %dma_start3A_90 = arith.constant 0 : i32
    %dma_start3A_91 = tpu.memref_slice %dma_start3A_89[%dma_start3A_71, %dma_start3A_90] : memref<80x128xi32, #tpu.memory_space<hbm>> -> memref<1x128xi32, #tpu.memory_space<hbm>>
    %dma_start3A_92 = tpu.memref_squeeze %dma_start3A_91 : memref<1x128xi32, #tpu.memory_space<hbm>> -> memref<128xi32, #tpu.memory_space<hbm>>
    tpu.enqueue_dma source(%dma_start3A_92 : memref<128xi32, #tpu.memory_space<hbm>>) target(%dma_start3A_85 : memref<128xi32, #tpu.memory_space<vmem>>) target_semaphore(%arg17 : memref<!tpu.dma_semaphore, #tpu.memory_space<semaphore_mem>>)
    %dma_start3A_93 = arith.constant 2 : i32
    %dma_start3A_94 = arith.constant 2 : i32
    %dma_start3A_95 = arith.constant 0 : i32
    %dma_start3A_96 = tpu.memref_slice %arg9[%dma_start3A_94, %dma_start3A_95] : memref<4x128xi32, #tpu.memory_space<vmem>> -> memref<1x128xi32, #tpu.memory_space<vmem>>
    %dma_start3A_97 = tpu.memref_squeeze %dma_start3A_96 : memref<1x128xi32, #tpu.memory_space<vmem>> -> memref<128xi32, #tpu.memory_space<vmem>>
    %dma_start3A_98 = arith.constant 0 : i32
    %dma_start3A_99 = arith.constant 0 : i32
    %dma_start3A_100 = tpu.memref_slice %arg3[%add3A, %dma_start3A_98, %dma_start3A_99] : memref<32x80x128xi32, #tpu.memory_space<hbm>> -> memref<1x80x128xi32, #tpu.memory_space<hbm>>
    %dma_start3A_101 = tpu.memref_squeeze %dma_start3A_100 : memref<1x80x128xi32, #tpu.memory_space<hbm>> -> memref<80x128xi32, #tpu.memory_space<hbm>>
    %dma_start3A_102 = arith.constant 0 : i32
    %dma_start3A_103 = tpu.memref_slice %dma_start3A_101[%dma_start3A_93, %dma_start3A_102] : memref<80x128xi32, #tpu.memory_space<hbm>> -> memref<1x128xi32, #tpu.memory_space<hbm>>
    %dma_start3A_104 = tpu.memref_squeeze %dma_start3A_103 : memref<1x128xi32, #tpu.memory_space<hbm>> -> memref<128xi32, #tpu.memory_space<hbm>>
    %dma_start3A_105 = arith.constant 0 : i32
    %dma_start3A_106 = tpu.memref_slice %arg9[%dma_start3A_94, %dma_start3A_105] : memref<4x128xi32, #tpu.memory_space<vmem>> -> memref<1x128xi32, #tpu.memory_space<vmem>>
    %dma_start3A_107 = tpu.memref_squeeze %dma_start3A_106 : memref<1x128xi32, #tpu.memory_space<vmem>> -> memref<128xi32, #tpu.memory_space<vmem>>
    %dma_start3A_108 = arith.constant 0 : i32
    %dma_start3A_109 = arith.constant 0 : i32
    %dma_start3A_110 = tpu.memref_slice %arg3[%add3A, %dma_start3A_108, %dma_start3A_109] : memref<32x80x128xi32, #tpu.memory_space<hbm>> -> memref<1x80x128xi32, #tpu.memory_space<hbm>>
    %dma_start3A_111 = tpu.memref_squeeze %dma_start3A_110 : memref<1x80x128xi32, #tpu.memory_space<hbm>> -> memref<80x128xi32, #tpu.memory_space<hbm>>
    %dma_start3A_112 = arith.constant 0 : i32
    %dma_start3A_113 = tpu.memref_slice %dma_start3A_111[%dma_start3A_93, %dma_start3A_112] : memref<80x128xi32, #tpu.memory_space<hbm>> -> memref<1x128xi32, #tpu.memory_space<hbm>>
    %dma_start3A_114 = tpu.memref_squeeze %dma_start3A_113 : memref<1x128xi32, #tpu.memory_space<hbm>> -> memref<128xi32, #tpu.memory_space<hbm>>
    tpu.enqueue_dma source(%dma_start3A_114 : memref<128xi32, #tpu.memory_space<hbm>>) target(%dma_start3A_107 : memref<128xi32, #tpu.memory_space<vmem>>) target_semaphore(%arg18 : memref<!tpu.dma_semaphore, #tpu.memory_space<semaphore_mem>>)
    %dma_start3A_115 = arith.constant 2 : i32
    %dma_start3A_116 = arith.constant 2 : i32
    %dma_start3A_117 = arith.constant 0 : i32
    %dma_start3A_118 = tpu.memref_slice %arg10[%dma_start3A_116, %dma_start3A_117] : memref<4x128xi32, #tpu.memory_space<vmem>> -> memref<1x128xi32, #tpu.memory_space<vmem>>
    %dma_start3A_119 = tpu.memref_squeeze %dma_start3A_118 : memref<1x128xi32, #tpu.memory_space<vmem>> -> memref<128xi32, #tpu.memory_space<vmem>>
    %dma_start3A_120 = arith.constant 0 : i32
    %dma_start3A_121 = arith.constant 0 : i32
    %dma_start3A_122 = tpu.memref_slice %arg4[%add3A, %dma_start3A_120, %dma_start3A_121] : memref<32x80x128xi32, #tpu.memory_space<hbm>> -> memref<1x80x128xi32, #tpu.memory_space<hbm>>
    %dma_start3A_123 = tpu.memref_squeeze %dma_start3A_122 : memref<1x80x128xi32, #tpu.memory_space<hbm>> -> memref<80x128xi32, #tpu.memory_space<hbm>>
    %dma_start3A_124 = arith.constant 0 : i32
    %dma_start3A_125 = tpu.memref_slice %dma_start3A_123[%dma_start3A_115, %dma_start3A_124] : memref<80x128xi32, #tpu.memory_space<hbm>> -> memref<1x128xi32, #tpu.memory_space<hbm>>
    %dma_start3A_126 = tpu.memref_squeeze %dma_start3A_125 : memref<1x128xi32, #tpu.memory_space<hbm>> -> memref<128xi32, #tpu.memory_space<hbm>>
    %dma_start3A_127 = arith.constant 0 : i32
    %dma_start3A_128 = tpu.memref_slice %arg10[%dma_start3A_116, %dma_start3A_127] : memref<4x128xi32, #tpu.memory_space<vmem>> -> memref<1x128xi32, #tpu.memory_space<vmem>>
    %dma_start3A_129 = tpu.memref_squeeze %dma_start3A_128 : memref<1x128xi32, #tpu.memory_space<vmem>> -> memref<128xi32, #tpu.memory_space<vmem>>
    %dma_start3A_130 = arith.constant 0 : i32
    %dma_start3A_131 = arith.constant 0 : i32
    %dma_start3A_132 = tpu.memref_slice %arg4[%add3A, %dma_start3A_130, %dma_start3A_131] : memref<32x80x128xi32, #tpu.memory_space<hbm>> -> memref<1x80x128xi32, #tpu.memory_space<hbm>>
    %dma_start3A_133 = tpu.memref_squeeze %dma_start3A_132 : memref<1x80x128xi32, #tpu.memory_space<hbm>> -> memref<80x128xi32, #tpu.memory_space<hbm>>
    %dma_start3A_134 = arith.constant 0 : i32
    %dma_start3A_135 = tpu.memref_slice %dma_start3A_133[%dma_start3A_115, %dma_start3A_134] : memref<80x128xi32, #tpu.memory_space<hbm>> -> memref<1x128xi32, #tpu.memory_space<hbm>>
    %dma_start3A_136 = tpu.memref_squeeze %dma_start3A_135 : memref<1x128xi32, #tpu.memory_space<hbm>> -> memref<128xi32, #tpu.memory_space<hbm>>
    tpu.enqueue_dma source(%dma_start3A_136 : memref<128xi32, #tpu.memory_space<hbm>>) target(%dma_start3A_129 : memref<128xi32, #tpu.memory_space<vmem>>) target_semaphore(%arg18 : memref<!tpu.dma_semaphore, #tpu.memory_space<semaphore_mem>>)
    %dma_start3A_137 = arith.constant 3 : i32
    %dma_start3A_138 = arith.constant 3 : i32
    %dma_start3A_139 = arith.constant 0 : i32
    %dma_start3A_140 = tpu.memref_slice %arg9[%dma_start3A_138, %dma_start3A_139] : memref<4x128xi32, #tpu.memory_space<vmem>> -> memref<1x128xi32, #tpu.memory_space<vmem>>
    %dma_start3A_141 = tpu.memref_squeeze %dma_start3A_140 : memref<1x128xi32, #tpu.memory_space<vmem>> -> memref<128xi32, #tpu.memory_space<vmem>>
    %dma_start3A_142 = arith.constant 0 : i32
    %dma_start3A_143 = arith.constant 0 : i32
    %dma_start3A_144 = tpu.memref_slice %arg3[%add3A, %dma_start3A_142, %dma_start3A_143] : memref<32x80x128xi32, #tpu.memory_space<hbm>> -> memref<1x80x128xi32, #tpu.memory_space<hbm>>
    %dma_start3A_145 = tpu.memref_squeeze %dma_start3A_144 : memref<1x80x128xi32, #tpu.memory_space<hbm>> -> memref<80x128xi32, #tpu.memory_space<hbm>>
    %dma_start3A_146 = arith.constant 0 : i32
    %dma_start3A_147 = tpu.memref_slice %dma_start3A_145[%dma_start3A_137, %dma_start3A_146] : memref<80x128xi32, #tpu.memory_space<hbm>> -> memref<1x128xi32, #tpu.memory_space<hbm>>
    %dma_start3A_148 = tpu.memref_squeeze %dma_start3A_147 : memref<1x128xi32, #tpu.memory_space<hbm>> -> memref<128xi32, #tpu.memory_space<hbm>>
    %dma_start3A_149 = arith.constant 0 : i32
    %dma_start3A_150 = tpu.memref_slice %arg9[%dma_start3A_138, %dma_start3A_149] : memref<4x128xi32, #tpu.memory_space<vmem>> -> memref<1x128xi32, #tpu.memory_space<vmem>>
    %dma_start3A_151 = tpu.memref_squeeze %dma_start3A_150 : memref<1x128xi32, #tpu.memory_space<vmem>> -> memref<128xi32, #tpu.memory_space<vmem>>
    %dma_start3A_152 = arith.constant 0 : i32
    %dma_start3A_153 = arith.constant 0 : i32
    %dma_start3A_154 = tpu.memref_slice %arg3[%add3A, %dma_start3A_152, %dma_start3A_153] : memref<32x80x128xi32, #tpu.memory_space<hbm>> -> memref<1x80x128xi32, #tpu.memory_space<hbm>>
    %dma_start3A_155 = tpu.memref_squeeze %dma_start3A_154 : memref<1x80x128xi32, #tpu.memory_space<hbm>> -> memref<80x128xi32, #tpu.memory_space<hbm>>
    %dma_start3A_156 = arith.constant 0 : i32
    %dma_start3A_157 = tpu.memref_slice %dma_start3A_155[%dma_start3A_137, %dma_start3A_156] : memref<80x128xi32, #tpu.memory_space<hbm>> -> memref<1x128xi32, #tpu.memory_space<hbm>>
    %dma_start3A_158 = tpu.memref_squeeze %dma_start3A_157 : memref<1x128xi32, #tpu.memory_space<hbm>> -> memref<128xi32, #tpu.memory_space<hbm>>
    tpu.enqueue_dma source(%dma_start3A_158 : memref<128xi32, #tpu.memory_space<hbm>>) target(%dma_start3A_151 : memref<128xi32, #tpu.memory_space<vmem>>) target_semaphore(%arg19 : memref<!tpu.dma_semaphore, #tpu.memory_space<semaphore_mem>>)
    %dma_start3A_159 = arith.constant 3 : i32
    %dma_start3A_160 = arith.constant 3 : i32
    %dma_start3A_161 = arith.constant 0 : i32
    %dma_start3A_162 = tpu.memref_slice %arg10[%dma_start3A_160, %dma_start3A_161] : memref<4x128xi32, #tpu.memory_space<vmem>> -> memref<1x128xi32, #tpu.memory_space<vmem>>
    %dma_start3A_163 = tpu.memref_squeeze %dma_start3A_162 : memref<1x128xi32, #tpu.memory_space<vmem>> -> memref<128xi32, #tpu.memory_space<vmem>>
    %dma_start3A_164 = arith.constant 0 : i32
    %dma_start3A_165 = arith.constant 0 : i32
    %dma_start3A_166 = tpu.memref_slice %arg4[%add3A, %dma_start3A_164, %dma_start3A_165] : memref<32x80x128xi32, #tpu.memory_space<hbm>> -> memref<1x80x128xi32, #tpu.memory_space<hbm>>
    %dma_start3A_167 = tpu.memref_squeeze %dma_start3A_166 : memref<1x80x128xi32, #tpu.memory_space<hbm>> -> memref<80x128xi32, #tpu.memory_space<hbm>>
    %dma_start3A_168 = arith.constant 0 : i32
    %dma_start3A_169 = tpu.memref_slice %dma_start3A_167[%dma_start3A_159, %dma_start3A_168] : memref<80x128xi32, #tpu.memory_space<hbm>> -> memref<1x128xi32, #tpu.memory_space<hbm>>
    %dma_start3A_170 = tpu.memref_squeeze %dma_start3A_169 : memref<1x128xi32, #tpu.memory_space<hbm>> -> memref<128xi32, #tpu.memory_space<hbm>>
    %dma_start3A_171 = arith.constant 0 : i32
    %dma_start3A_172 = tpu.memref_slice %arg10[%dma_start3A_160, %dma_start3A_171] : memref<4x128xi32, #tpu.memory_space<vmem>> -> memref<1x128xi32, #tpu.memory_space<vmem>>
    %dma_start3A_173 = tpu.memref_squeeze %dma_start3A_172 : memref<1x128xi32, #tpu.memory_space<vmem>> -> memref<128xi32, #tpu.memory_space<vmem>>
    %dma_start3A_174 = arith.constant 0 : i32
    %dma_start3A_175 = arith.constant 0 : i32
    %dma_start3A_176 = tpu.memref_slice %arg4[%add3A, %dma_start3A_174, %dma_start3A_175] : memref<32x80x128xi32, #tpu.memory_space<hbm>> -> memref<1x80x128xi32, #tpu.memory_space<hbm>>
    %dma_start3A_177 = tpu.memref_squeeze %dma_start3A_176 : memref<1x80x128xi32, #tpu.memory_space<hbm>> -> memref<80x128xi32, #tpu.memory_space<hbm>>
    %dma_start3A_178 = arith.constant 0 : i32
    %dma_start3A_179 = tpu.memref_slice %dma_start3A_177[%dma_start3A_159, %dma_start3A_178] : memref<80x128xi32, #tpu.memory_space<hbm>> -> memref<1x128xi32, #tpu.memory_space<hbm>>
    %dma_start3A_180 = tpu.memref_squeeze %dma_start3A_179 : memref<1x128xi32, #tpu.memory_space<hbm>> -> memref<128xi32, #tpu.memory_space<hbm>>
    tpu.enqueue_dma source(%dma_start3A_180 : memref<128xi32, #tpu.memory_space<hbm>>) target(%dma_start3A_173 : memref<128xi32, #tpu.memory_space<vmem>>) target_semaphore(%arg19 : memref<!tpu.dma_semaphore, #tpu.memory_space<semaphore_mem>>)
    %dma_wait3A = arith.constant 0 : i32
    %dma_wait3A_181 = arith.constant 0 : i32
    %dma_wait3A_182 = arith.constant 0 : i32
    %dma_wait3A_183 = tpu.memref_slice %arg9[%dma_wait3A_181, %dma_wait3A_182] : memref<4x128xi32, #tpu.memory_space<vmem>> -> memref<1x128xi32, #tpu.memory_space<vmem>>
    %dma_wait3A_184 = tpu.memref_squeeze %dma_wait3A_183 : memref<1x128xi32, #tpu.memory_space<vmem>> -> memref<128xi32, #tpu.memory_space<vmem>>
    %dma_wait3A_185 = arith.constant 0 : i32
    %dma_wait3A_186 = arith.constant 0 : i32
    %dma_wait3A_187 = tpu.memref_slice %arg3[%add3A, %dma_wait3A_185, %dma_wait3A_186] : memref<32x80x128xi32, #tpu.memory_space<hbm>> -> memref<1x80x128xi32, #tpu.memory_space<hbm>>
    %dma_wait3A_188 = tpu.memref_squeeze %dma_wait3A_187 : memref<1x80x128xi32, #tpu.memory_space<hbm>> -> memref<80x128xi32, #tpu.memory_space<hbm>>
    %dma_wait3A_189 = arith.constant 0 : i32
    %dma_wait3A_190 = tpu.memref_slice %dma_wait3A_188[%dma_wait3A, %dma_wait3A_189] : memref<80x128xi32, #tpu.memory_space<hbm>> -> memref<1x128xi32, #tpu.memory_space<hbm>>
    %dma_wait3A_191 = tpu.memref_squeeze %dma_wait3A_190 : memref<1x128xi32, #tpu.memory_space<hbm>> -> memref<128xi32, #tpu.memory_space<hbm>>
    %dma_wait3A_192 = arith.constant 0 : i32
    %dma_wait3A_193 = tpu.memref_slice %arg9[%dma_wait3A_181, %dma_wait3A_192] : memref<4x128xi32, #tpu.memory_space<vmem>> -> memref<1x128xi32, #tpu.memory_space<vmem>>
    %dma_wait3A_194 = tpu.memref_squeeze %dma_wait3A_193 : memref<1x128xi32, #tpu.memory_space<vmem>> -> memref<128xi32, #tpu.memory_space<vmem>>
    %dma_wait3A_195 = arith.constant 0 : i32
    %dma_wait3A_196 = arith.constant 0 : i32
    %dma_wait3A_197 = tpu.memref_slice %arg3[%add3A, %dma_wait3A_195, %dma_wait3A_196] : memref<32x80x128xi32, #tpu.memory_space<hbm>> -> memref<1x80x128xi32, #tpu.memory_space<hbm>>
    %dma_wait3A_198 = tpu.memref_squeeze %dma_wait3A_197 : memref<1x80x128xi32, #tpu.memory_space<hbm>> -> memref<80x128xi32, #tpu.memory_space<hbm>>
    %dma_wait3A_199 = arith.constant 0 : i32
    %dma_wait3A_200 = tpu.memref_slice %dma_wait3A_198[%dma_wait3A, %dma_wait3A_199] : memref<80x128xi32, #tpu.memory_space<hbm>> -> memref<1x128xi32, #tpu.memory_space<hbm>>
    %dma_wait3A_201 = tpu.memref_squeeze %dma_wait3A_200 : memref<1x128xi32, #tpu.memory_space<hbm>> -> memref<128xi32, #tpu.memory_space<hbm>>
    tpu.wait_dma2 semaphore(%arg16 : memref<!tpu.dma_semaphore, #tpu.memory_space<semaphore_mem>>) src(%dma_wait3A_201 : memref<128xi32, #tpu.memory_space<hbm>>) dst(%dma_wait3A_194 : memref<128xi32, #tpu.memory_space<vmem>>)
    %dma_wait3A_202 = arith.constant 0 : i32
    %dma_wait3A_203 = arith.constant 0 : i32
    %dma_wait3A_204 = arith.constant 0 : i32
    %dma_wait3A_205 = tpu.memref_slice %arg10[%dma_wait3A_203, %dma_wait3A_204] : memref<4x128xi32, #tpu.memory_space<vmem>> -> memref<1x128xi32, #tpu.memory_space<vmem>>
    %dma_wait3A_206 = tpu.memref_squeeze %dma_wait3A_205 : memref<1x128xi32, #tpu.memory_space<vmem>> -> memref<128xi32, #tpu.memory_space<vmem>>
    %dma_wait3A_207 = arith.constant 0 : i32
    %dma_wait3A_208 = arith.constant 0 : i32
    %dma_wait3A_209 = tpu.memref_slice %arg4[%add3A, %dma_wait3A_207, %dma_wait3A_208] : memref<32x80x128xi32, #tpu.memory_space<hbm>> -> memref<1x80x128xi32, #tpu.memory_space<hbm>>
    %dma_wait3A_210 = tpu.memref_squeeze %dma_wait3A_209 : memref<1x80x128xi32, #tpu.memory_space<hbm>> -> memref<80x128xi32, #tpu.memory_space<hbm>>
    %dma_wait3A_211 = arith.constant 0 : i32
    %dma_wait3A_212 = tpu.memref_slice %dma_wait3A_210[%dma_wait3A_202, %dma_wait3A_211] : memref<80x128xi32, #tpu.memory_space<hbm>> -> memref<1x128xi32, #tpu.memory_space<hbm>>
    %dma_wait3A_213 = tpu.memref_squeeze %dma_wait3A_212 : memref<1x128xi32, #tpu.memory_space<hbm>> -> memref<128xi32, #tpu.memory_space<hbm>>
    %dma_wait3A_214 = arith.constant 0 : i32
    %dma_wait3A_215 = tpu.memref_slice %arg10[%dma_wait3A_203, %dma_wait3A_214] : memref<4x128xi32, #tpu.memory_space<vmem>> -> memref<1x128xi32, #tpu.memory_space<vmem>>
    %dma_wait3A_216 = tpu.memref_squeeze %dma_wait3A_215 : memref<1x128xi32, #tpu.memory_space<vmem>> -> memref<128xi32, #tpu.memory_space<vmem>>
    %dma_wait3A_217 = arith.constant 0 : i32
    %dma_wait3A_218 = arith.constant 0 : i32
    %dma_wait3A_219 = tpu.memref_slice %arg4[%add3A, %dma_wait3A_217, %dma_wait3A_218] : memref<32x80x128xi32, #tpu.memory_space<hbm>> -> memref<1x80x128xi32, #tpu.memory_space<hbm>>
    %dma_wait3A_220 = tpu.memref_squeeze %dma_wait3A_219 : memref<1x80x128xi32, #tpu.memory_space<hbm>> -> memref<80x128xi32, #tpu.memory_space<hbm>>
    %dma_wait3A_221 = arith.constant 0 : i32
    %dma_wait3A_222 = tpu.memref_slice %dma_wait3A_220[%dma_wait3A_202, %dma_wait3A_221] : memref<80x128xi32, #tpu.memory_space<hbm>> -> memref<1x128xi32, #tpu.memory_space<hbm>>
    %dma_wait3A_223 = tpu.memref_squeeze %dma_wait3A_222 : memref<1x128xi32, #tpu.memory_space<hbm>> -> memref<128xi32, #tpu.memory_space<hbm>>
    tpu.wait_dma2 semaphore(%arg16 : memref<!tpu.dma_semaphore, #tpu.memory_space<semaphore_mem>>) src(%dma_wait3A_223 : memref<128xi32, #tpu.memory_space<hbm>>) dst(%dma_wait3A_216 : memref<128xi32, #tpu.memory_space<vmem>>)
    %dma_start3A_224 = arith.constant 0 : i32
    %dma_start3A_225 = arith.constant 0 : i32
    %dma_start3A_226 = arith.constant 0 : i32
    %dma_start3A_227 = arith.constant 0 : i32
    %dma_start3A_228 = tpu.memref_slice %arg11[%dma_start3A_225, %dma_start3A_226, %dma_start3A_227] : memref<2x128x128xf32, #tpu.memory_space<vmem>> -> memref<1x128x128xf32, #tpu.memory_space<vmem>>
    %dma_start3A_229 = tpu.memref_squeeze %dma_start3A_228 : memref<1x128x128xf32, #tpu.memory_space<vmem>> -> memref<128x128xf32, #tpu.memory_space<vmem>>
    %dma_start3A_230 = arith.constant 0 : i32
    %dma_start3A_231 = tpu.memref_slice %arg9[%dma_start3A_224, %dma_start3A_230] : memref<4x128xi32, #tpu.memory_space<vmem>> -> memref<1x128xi32, #tpu.memory_space<vmem>>
    %dma_start3A_232 = tpu.memref_squeeze %dma_start3A_231 : memref<1x128xi32, #tpu.memory_space<vmem>> -> memref<128xi32, #tpu.memory_space<vmem>>
    %dma_start3A_233 = arith.constant 0 : i32
    %dma_start3A_234 = arith.constant 0 : i32
    %dma_start3A_235 = tpu.memref_slice %arg2[%dma_start3A_233, %dma_start3A_234] : memref<10112x128xf32, #tpu.memory_space<hbm>> -> memref<10112x128xf32, #tpu.memory_space<hbm>>
    tpu.enqueue_indirect_dma source(%dma_start3A_235 : memref<10112x128xf32, #tpu.memory_space<hbm>>) target(%dma_start3A_229 : memref<128x128xf32, #tpu.memory_space<vmem>>) offsets(%dma_start3A_232 : memref<128xi32, #tpu.memory_space<vmem>>) semaphore(%arg14 : memref<!tpu.dma_semaphore, #tpu.memory_space<semaphore_mem>>)
    %dma_wait3A_236 = arith.constant 1 : i32
    %dma_wait3A_237 = arith.constant 1 : i32
    %dma_wait3A_238 = arith.constant 0 : i32
    %dma_wait3A_239 = tpu.memref_slice %arg9[%dma_wait3A_237, %dma_wait3A_238] : memref<4x128xi32, #tpu.memory_space<vmem>> -> memref<1x128xi32, #tpu.memory_space<vmem>>
    %dma_wait3A_240 = tpu.memref_squeeze %dma_wait3A_239 : memref<1x128xi32, #tpu.memory_space<vmem>> -> memref<128xi32, #tpu.memory_space<vmem>>
    %dma_wait3A_241 = arith.constant 0 : i32
    %dma_wait3A_242 = arith.constant 0 : i32
    %dma_wait3A_243 = tpu.memref_slice %arg3[%add3A, %dma_wait3A_241, %dma_wait3A_242] : memref<32x80x128xi32, #tpu.memory_space<hbm>> -> memref<1x80x128xi32, #tpu.memory_space<hbm>>
    %dma_wait3A_244 = tpu.memref_squeeze %dma_wait3A_243 : memref<1x80x128xi32, #tpu.memory_space<hbm>> -> memref<80x128xi32, #tpu.memory_space<hbm>>
    %dma_wait3A_245 = arith.constant 0 : i32
    %dma_wait3A_246 = tpu.memref_slice %dma_wait3A_244[%dma_wait3A_236, %dma_wait3A_245] : memref<80x128xi32, #tpu.memory_space<hbm>> -> memref<1x128xi32, #tpu.memory_space<hbm>>
    %dma_wait3A_247 = tpu.memref_squeeze %dma_wait3A_246 : memref<1x128xi32, #tpu.memory_space<hbm>> -> memref<128xi32, #tpu.memory_space<hbm>>
    %dma_wait3A_248 = arith.constant 0 : i32
    %dma_wait3A_249 = tpu.memref_slice %arg9[%dma_wait3A_237, %dma_wait3A_248] : memref<4x128xi32, #tpu.memory_space<vmem>> -> memref<1x128xi32, #tpu.memory_space<vmem>>
    %dma_wait3A_250 = tpu.memref_squeeze %dma_wait3A_249 : memref<1x128xi32, #tpu.memory_space<vmem>> -> memref<128xi32, #tpu.memory_space<vmem>>
    %dma_wait3A_251 = arith.constant 0 : i32
    %dma_wait3A_252 = arith.constant 0 : i32
    %dma_wait3A_253 = tpu.memref_slice %arg3[%add3A, %dma_wait3A_251, %dma_wait3A_252] : memref<32x80x128xi32, #tpu.memory_space<hbm>> -> memref<1x80x128xi32, #tpu.memory_space<hbm>>
    %dma_wait3A_254 = tpu.memref_squeeze %dma_wait3A_253 : memref<1x80x128xi32, #tpu.memory_space<hbm>> -> memref<80x128xi32, #tpu.memory_space<hbm>>
    %dma_wait3A_255 = arith.constant 0 : i32
    %dma_wait3A_256 = tpu.memref_slice %dma_wait3A_254[%dma_wait3A_236, %dma_wait3A_255] : memref<80x128xi32, #tpu.memory_space<hbm>> -> memref<1x128xi32, #tpu.memory_space<hbm>>
    %dma_wait3A_257 = tpu.memref_squeeze %dma_wait3A_256 : memref<1x128xi32, #tpu.memory_space<hbm>> -> memref<128xi32, #tpu.memory_space<hbm>>
    tpu.wait_dma2 semaphore(%arg17 : memref<!tpu.dma_semaphore, #tpu.memory_space<semaphore_mem>>) src(%dma_wait3A_257 : memref<128xi32, #tpu.memory_space<hbm>>) dst(%dma_wait3A_250 : memref<128xi32, #tpu.memory_space<vmem>>)
    %dma_wait3A_258 = arith.constant 1 : i32
    %dma_wait3A_259 = arith.constant 1 : i32
    %dma_wait3A_260 = arith.constant 0 : i32
    %dma_wait3A_261 = tpu.memref_slice %arg10[%dma_wait3A_259, %dma_wait3A_260] : memref<4x128xi32, #tpu.memory_space<vmem>> -> memref<1x128xi32, #tpu.memory_space<vmem>>
    %dma_wait3A_262 = tpu.memref_squeeze %dma_wait3A_261 : memref<1x128xi32, #tpu.memory_space<vmem>> -> memref<128xi32, #tpu.memory_space<vmem>>
    %dma_wait3A_263 = arith.constant 0 : i32
    %dma_wait3A_264 = arith.constant 0 : i32
    %dma_wait3A_265 = tpu.memref_slice %arg4[%add3A, %dma_wait3A_263, %dma_wait3A_264] : memref<32x80x128xi32, #tpu.memory_space<hbm>> -> memref<1x80x128xi32, #tpu.memory_space<hbm>>
    %dma_wait3A_266 = tpu.memref_squeeze %dma_wait3A_265 : memref<1x80x128xi32, #tpu.memory_space<hbm>> -> memref<80x128xi32, #tpu.memory_space<hbm>>
    %dma_wait3A_267 = arith.constant 0 : i32
    %dma_wait3A_268 = tpu.memref_slice %dma_wait3A_266[%dma_wait3A_258, %dma_wait3A_267] : memref<80x128xi32, #tpu.memory_space<hbm>> -> memref<1x128xi32, #tpu.memory_space<hbm>>
    %dma_wait3A_269 = tpu.memref_squeeze %dma_wait3A_268 : memref<1x128xi32, #tpu.memory_space<hbm>> -> memref<128xi32, #tpu.memory_space<hbm>>
    %dma_wait3A_270 = arith.constant 0 : i32
    %dma_wait3A_271 = tpu.memref_slice %arg10[%dma_wait3A_259, %dma_wait3A_270] : memref<4x128xi32, #tpu.memory_space<vmem>> -> memref<1x128xi32, #tpu.memory_space<vmem>>
    %dma_wait3A_272 = tpu.memref_squeeze %dma_wait3A_271 : memref<1x128xi32, #tpu.memory_space<vmem>> -> memref<128xi32, #tpu.memory_space<vmem>>
    %dma_wait3A_273 = arith.constant 0 : i32
    %dma_wait3A_274 = arith.constant 0 : i32
    %dma_wait3A_275 = tpu.memref_slice %arg4[%add3A, %dma_wait3A_273, %dma_wait3A_274] : memref<32x80x128xi32, #tpu.memory_space<hbm>> -> memref<1x80x128xi32, #tpu.memory_space<hbm>>
    %dma_wait3A_276 = tpu.memref_squeeze %dma_wait3A_275 : memref<1x80x128xi32, #tpu.memory_space<hbm>> -> memref<80x128xi32, #tpu.memory_space<hbm>>
    %dma_wait3A_277 = arith.constant 0 : i32
    %dma_wait3A_278 = tpu.memref_slice %dma_wait3A_276[%dma_wait3A_258, %dma_wait3A_277] : memref<80x128xi32, #tpu.memory_space<hbm>> -> memref<1x128xi32, #tpu.memory_space<hbm>>
    %dma_wait3A_279 = tpu.memref_squeeze %dma_wait3A_278 : memref<1x128xi32, #tpu.memory_space<hbm>> -> memref<128xi32, #tpu.memory_space<hbm>>
    tpu.wait_dma2 semaphore(%arg17 : memref<!tpu.dma_semaphore, #tpu.memory_space<semaphore_mem>>) src(%dma_wait3A_279 : memref<128xi32, #tpu.memory_space<hbm>>) dst(%dma_wait3A_272 : memref<128xi32, #tpu.memory_space<vmem>>)
    %dma_start3A_280 = arith.constant 1 : i32
    %dma_start3A_281 = arith.constant 1 : i32
    %dma_start3A_282 = arith.constant 0 : i32
    %dma_start3A_283 = arith.constant 0 : i32
    %dma_start3A_284 = tpu.memref_slice %arg11[%dma_start3A_281, %dma_start3A_282, %dma_start3A_283] : memref<2x128x128xf32, #tpu.memory_space<vmem>> -> memref<1x128x128xf32, #tpu.memory_space<vmem>>
    %dma_start3A_285 = tpu.memref_squeeze %dma_start3A_284 : memref<1x128x128xf32, #tpu.memory_space<vmem>> -> memref<128x128xf32, #tpu.memory_space<vmem>>
    %dma_start3A_286 = arith.constant 0 : i32
    %dma_start3A_287 = tpu.memref_slice %arg9[%dma_start3A_280, %dma_start3A_286] : memref<4x128xi32, #tpu.memory_space<vmem>> -> memref<1x128xi32, #tpu.memory_space<vmem>>
    %dma_start3A_288 = tpu.memref_squeeze %dma_start3A_287 : memref<1x128xi32, #tpu.memory_space<vmem>> -> memref<128xi32, #tpu.memory_space<vmem>>
    %dma_start3A_289 = arith.constant 0 : i32
    %dma_start3A_290 = arith.constant 0 : i32
    %dma_start3A_291 = tpu.memref_slice %arg2[%dma_start3A_289, %dma_start3A_290] : memref<10112x128xf32, #tpu.memory_space<hbm>> -> memref<10112x128xf32, #tpu.memory_space<hbm>>
    tpu.enqueue_indirect_dma source(%dma_start3A_291 : memref<10112x128xf32, #tpu.memory_space<hbm>>) target(%dma_start3A_285 : memref<128x128xf32, #tpu.memory_space<vmem>>) offsets(%dma_start3A_288 : memref<128xi32, #tpu.memory_space<vmem>>) semaphore(%arg15 : memref<!tpu.dma_semaphore, #tpu.memory_space<semaphore_mem>>)
    %scan3A = arith.constant 0 : i32
    %scan3A_292 = arith.constant 0 : i32
    %scan3A_293 = arith.constant 20 : i32
    %scan3A_294 = arith.addi %scan3A_292, %scan3A_293 : i32
    %scan3A_295 = arith.constant 1 : i32
    scf.for %scan3A_302 = %scan3A_292 to %scan3A_294 step %scan3A_295  : i32 {
      %mul3A_303 = arith.constant 4 : i32
      %mul3A_304 = arith.muli %scan3A_302, %mul3A_303 : i32
      %add3A_305 = arith.constant 0 : i32
      %add3A_306 = arith.addi %mul3A_304, %add3A_305 : i32
      %get3A = arith.constant 0 : i32
      %get3A_307 = arith.index_cast %get3A : i32 to index
      %get3A_308 = arith.constant 0 : index
      %get3A_309 = tpu.vector_load %arg10[%get3A_307, %get3A_308] {strides = array<i32>} : memref<4x128xi32, #tpu.memory_space<vmem>>, vector<16xi32>,
      tpu.vector_store_idx %arg12[%get3A_309], %broadcast_in_dim3A_5 {add = true} : memref<10112xf32, #tpu.memory_space<vmem>>[vector<16xi32>], vector<16xf32>,
      %get3A_310 = arith.constant 0 : i32
      %get3A_311 = arith.index_cast %get3A_310 : i32 to index
      %get3A_312 = arith.constant 16 : index
      %get3A_313 = tpu.vector_load %arg10[%get3A_311, %get3A_312] {strides = array<i32>} : memref<4x128xi32, #tpu.memory_space<vmem>>, vector<16xi32>,
      tpu.vector_store_idx %arg12[%get3A_313], %broadcast_in_dim3A_5 {add = true} : memref<10112xf32, #tpu.memory_space<vmem>>[vector<16xi32>], vector<16xf32>,
      %get3A_314 = arith.constant 0 : i32
      %get3A_315 = arith.index_cast %get3A_314 : i32 to index
      %get3A_316 = arith.constant 32 : index
      %get3A_317 = tpu.vector_load %arg10[%get3A_315, %get3A_316] {strides = array<i32>} : memref<4x128xi32, #tpu.memory_space<vmem>>, vector<16xi32>,
      tpu.vector_store_idx %arg12[%get3A_317], %broadcast_in_dim3A_5 {add = true} : memref<10112xf32, #tpu.memory_space<vmem>>[vector<16xi32>], vector<16xf32>,
      %get3A_318 = arith.constant 0 : i32
      %get3A_319 = arith.index_cast %get3A_318 : i32 to index
      %get3A_320 = arith.constant 48 : index
      %get3A_321 = tpu.vector_load %arg10[%get3A_319, %get3A_320] {strides = array<i32>} : memref<4x128xi32, #tpu.memory_space<vmem>>, vector<16xi32>,
      tpu.vector_store_idx %arg12[%get3A_321], %broadcast_in_dim3A_5 {add = true} : memref<10112xf32, #tpu.memory_space<vmem>>[vector<16xi32>], vector<16xf32>,
      %get3A_322 = arith.constant 0 : i32
      %get3A_323 = arith.index_cast %get3A_322 : i32 to index
      %get3A_324 = arith.constant 64 : index
      %get3A_325 = tpu.vector_load %arg10[%get3A_323, %get3A_324] {strides = array<i32>} : memref<4x128xi32, #tpu.memory_space<vmem>>, vector<16xi32>,
      tpu.vector_store_idx %arg12[%get3A_325], %broadcast_in_dim3A_5 {add = true} : memref<10112xf32, #tpu.memory_space<vmem>>[vector<16xi32>], vector<16xf32>,
      %get3A_326 = arith.constant 0 : i32
      %get3A_327 = arith.index_cast %get3A_326 : i32 to index
      %get3A_328 = arith.constant 80 : index
      %get3A_329 = tpu.vector_load %arg10[%get3A_327, %get3A_328] {strides = array<i32>} : memref<4x128xi32, #tpu.memory_space<vmem>>, vector<16xi32>,
      tpu.vector_store_idx %arg12[%get3A_329], %broadcast_in_dim3A_5 {add = true} : memref<10112xf32, #tpu.memory_space<vmem>>[vector<16xi32>], vector<16xf32>,
      %get3A_330 = arith.constant 0 : i32
      %get3A_331 = arith.index_cast %get3A_330 : i32 to index
      %get3A_332 = arith.constant 96 : index
      %get3A_333 = tpu.vector_load %arg10[%get3A_331, %get3A_332] {strides = array<i32>} : memref<4x128xi32, #tpu.memory_space<vmem>>, vector<16xi32>,
      tpu.vector_store_idx %arg12[%get3A_333], %broadcast_in_dim3A_5 {add = true} : memref<10112xf32, #tpu.memory_space<vmem>>[vector<16xi32>], vector<16xf32>,
      %get3A_334 = arith.constant 0 : i32
      %get3A_335 = arith.index_cast %get3A_334 : i32 to index
      %get3A_336 = arith.constant 112 : index
      %get3A_337 = tpu.vector_load %arg10[%get3A_335, %get3A_336] {strides = array<i32>} : memref<4x128xi32, #tpu.memory_space<vmem>>, vector<16xi32>,
      tpu.vector_store_idx %arg12[%get3A_337], %broadcast_in_dim3A_5 {add = true} : memref<10112xf32, #tpu.memory_space<vmem>>[vector<16xi32>], vector<16xf32>,
      %dma_wait3A_338 = arith.constant 0 : i32
      %dma_wait3A_339 = arith.constant 0 : i32
      %dma_wait3A_340 = arith.constant 0 : i32
      %dma_wait3A_341 = arith.constant 0 : i32
      %dma_wait3A_342 = tpu.memref_slice %arg11[%dma_wait3A_339, %dma_wait3A_340, %dma_wait3A_341] : memref<2x128x128xf32, #tpu.memory_space<vmem>> -> memref<1x128x128xf32, #tpu.memory_space<vmem>>
      %dma_wait3A_343 = tpu.memref_squeeze %dma_wait3A_342 : memref<1x128x128xf32, #tpu.memory_space<vmem>> -> memref<128x128xf32, #tpu.memory_space<vmem>>
      %dma_wait3A_344 = arith.constant 0 : i32
      %dma_wait3A_345 = tpu.memref_slice %arg9[%dma_wait3A_338, %dma_wait3A_344] : memref<4x128xi32, #tpu.memory_space<vmem>> -> memref<1x128xi32, #tpu.memory_space<vmem>>
      %dma_wait3A_346 = tpu.memref_squeeze %dma_wait3A_345 : memref<1x128xi32, #tpu.memory_space<vmem>> -> memref<128xi32, #tpu.memory_space<vmem>>
      %dma_wait3A_347 = arith.constant 0 : i32
      %dma_wait3A_348 = arith.constant 0 : i32
      %dma_wait3A_349 = tpu.memref_slice %arg2[%dma_wait3A_347, %dma_wait3A_348] : memref<10112x128xf32, #tpu.memory_space<hbm>> -> memref<10112x128xf32, #tpu.memory_space<hbm>>
      tpu.wait_indirect_dma semaphore(%arg14 : memref<!tpu.dma_semaphore, #tpu.memory_space<semaphore_mem>>) src(%dma_wait3A_349 : memref<10112x128xf32, #tpu.memory_space<hbm>>) dst(%dma_wait3A_343 : memref<128x128xf32, #tpu.memory_space<vmem>>)
      %run_scoped3A = arith.constant 0 : i32
      %run_scoped3A_350 = arith.constant 0 : i32
      "tpu.region"() ({
        %run_scoped3A_554 = tpu.sem_alloc : memref<!tpu.dma_semaphore, #tpu.memory_space<semaphore_mem>>
        %dma_start3A_555 = arith.constant 0 : i32
        %dma_start3A_556 = arith.constant 0 : i32
        %dma_start3A_557 = tpu.memref_slice %arg11[%run_scoped3A, %dma_start3A_555, %dma_start3A_556] : memref<2x128x128xf32, #tpu.memory_space<vmem>> -> memref<1x128x128xf32, #tpu.memory_space<vmem>>
        %dma_start3A_558 = tpu.memref_squeeze %dma_start3A_557 : memref<1x128x128xf32, #tpu.memory_space<vmem>> -> memref<128x128xf32, #tpu.memory_space<vmem>>
        %dma_start3A_559 = arith.constant 0 : i32
        %dma_start3A_560 = tpu.memref_slice %arg10[%run_scoped3A_350, %dma_start3A_559] : memref<4x128xi32, #tpu.memory_space<vmem>> -> memref<1x128xi32, #tpu.memory_space<vmem>>
        %dma_start3A_561 = tpu.memref_squeeze %dma_start3A_560 : memref<1x128xi32, #tpu.memory_space<vmem>> -> memref<128xi32, #tpu.memory_space<vmem>>
        %dma_start3A_562 = arith.constant 0 : i32
        %dma_start3A_563 = arith.constant 0 : i32
        %dma_start3A_564 = tpu.memref_slice %arg13[%dma_start3A_562, %dma_start3A_563] : memref<10112x128xf32, #tpu.memory_space<vmem_shared>> -> memref<10112x128xf32, #tpu.memory_space<vmem_shared>>
        tpu.enqueue_indirect_dma source(%dma_start3A_558 : memref<128x128xf32, #tpu.memory_space<vmem>>) target(%dma_start3A_564 : memref<10112x128xf32, #tpu.memory_space<vmem_shared>>) offsets(%dma_start3A_561 : memref<128xi32, #tpu.memory_space<vmem>>) semaphore(%run_scoped3A_554 : memref<!tpu.dma_semaphore, #tpu.memory_space<semaphore_mem>>) {add = true}
        %dma_wait3A_565 = arith.constant 0 : i32
        %dma_wait3A_566 = arith.constant 0 : i32
        %dma_wait3A_567 = tpu.memref_slice %arg11[%run_scoped3A, %dma_wait3A_565, %dma_wait3A_566] : memref<2x128x128xf32, #tpu.memory_space<vmem>> -> memref<1x128x128xf32, #tpu.memory_space<vmem>>
        %dma_wait3A_568 = tpu.memref_squeeze %dma_wait3A_567 : memref<1x128x128xf32, #tpu.memory_space<vmem>> -> memref<128x128xf32, #tpu.memory_space<vmem>>
        %dma_wait3A_569 = arith.constant 0 : i32
        %dma_wait3A_570 = tpu.memref_slice %arg10[%run_scoped3A_350, %dma_wait3A_569] : memref<4x128xi32, #tpu.memory_space<vmem>> -> memref<1x128xi32, #tpu.memory_space<vmem>>
        %dma_wait3A_571 = tpu.memref_squeeze %dma_wait3A_570 : memref<1x128xi32, #tpu.memory_space<vmem>> -> memref<128xi32, #tpu.memory_space<vmem>>
        %dma_wait3A_572 = arith.constant 0 : i32
        %dma_wait3A_573 = arith.constant 0 : i32
        %dma_wait3A_574 = tpu.memref_slice %arg13[%dma_wait3A_572, %dma_wait3A_573] : memref<10112x128xf32, #tpu.memory_space<vmem_shared>> -> memref<10112x128xf32, #tpu.memory_space<vmem_shared>>
        tpu.wait_indirect_dma semaphore(%run_scoped3A_554 : memref<!tpu.dma_semaphore, #tpu.memory_space<semaphore_mem>>) src(%dma_wait3A_568 : memref<128x128xf32, #tpu.memory_space<vmem>>) dst(%dma_wait3A_574 : memref<10112x128xf32, #tpu.memory_space<vmem_shared>>)
        tpu.yield
      }) : () -> ()
      %add3A_351 = arith.constant 4 : i32
      %add3A_352 = arith.addi %add3A_306, %add3A_351 : i32
      %lt3A = arith.constant 80 : i32
      %lt3A_353 = arith.cmpi slt, %add3A_352, %lt3A : i32
      %convert_element_type3A = arith.extui %lt3A_353 : i1 to i32
      %cond3A = arith.constant 0 : i32
      %cond3A_354 = arith.cmpi ne, %convert_element_type3A, %cond3A : i32
      scf.if %cond3A_354 {
        %add3A_554 = arith.constant 4 : i32
        %add3A_555 = arith.addi %add3A_306, %add3A_554 : i32
        %dma_start3A_556 = arith.constant 0 : i32
        %dma_start3A_557 = arith.constant 0 : i32
        %dma_start3A_558 = tpu.memref_slice %arg9[%dma_start3A_556, %dma_start3A_557] : memref<4x128xi32, #tpu.memory_space<vmem>> -> memref<1x128xi32, #tpu.memory_space<vmem>>
        %dma_start3A_559 = tpu.memref_squeeze %dma_start3A_558 : memref<1x128xi32, #tpu.memory_space<vmem>> -> memref<128xi32, #tpu.memory_space<vmem>>
        %dma_start3A_560 = arith.constant 0 : i32
        %dma_start3A_561 = arith.constant 0 : i32
        %dma_start3A_562 = tpu.memref_slice %arg3[%add3A, %dma_start3A_560, %dma_start3A_561] : memref<32x80x128xi32, #tpu.memory_space<hbm>> -> memref<1x80x128xi32, #tpu.memory_space<hbm>>
        %dma_start3A_563 = tpu.memref_squeeze %dma_start3A_562 : memref<1x80x128xi32, #tpu.memory_space<hbm>> -> memref<80x128xi32, #tpu.memory_space<hbm>>
        %dma_start3A_564 = arith.constant 0 : i32
        %dma_start3A_565 = tpu.memref_slice %dma_start3A_563[%add3A_555, %dma_start3A_564] : memref<80x128xi32, #tpu.memory_space<hbm>> -> memref<1x128xi32, #tpu.memory_space<hbm>>
        %dma_start3A_566 = tpu.memref_squeeze %dma_start3A_565 : memref<1x128xi32, #tpu.memory_space<hbm>> -> memref<128xi32, #tpu.memory_space<hbm>>
        %dma_start3A_567 = arith.constant 0 : i32
        %dma_start3A_568 = tpu.memref_slice %arg9[%dma_start3A_556, %dma_start3A_567] : memref<4x128xi32, #tpu.memory_space<vmem>> -> memref<1x128xi32, #tpu.memory_space<vmem>>
        %dma_start3A_569 = tpu.memref_squeeze %dma_start3A_568 : memref<1x128xi32, #tpu.memory_space<vmem>> -> memref<128xi32, #tpu.memory_space<vmem>>
        %dma_start3A_570 = arith.constant 0 : i32
        %dma_start3A_571 = arith.constant 0 : i32
        %dma_start3A_572 = tpu.memref_slice %arg3[%add3A, %dma_start3A_570, %dma_start3A_571] : memref<32x80x128xi32, #tpu.memory_space<hbm>> -> memref<1x80x128xi32, #tpu.memory_space<hbm>>
        %dma_start3A_573 = tpu.memref_squeeze %dma_start3A_572 : memref<1x80x128xi32, #tpu.memory_space<hbm>> -> memref<80x128xi32, #tpu.memory_space<hbm>>
        %dma_start3A_574 = arith.constant 0 : i32
        %dma_start3A_575 = tpu.memref_slice %dma_start3A_573[%add3A_555, %dma_start3A_574] : memref<80x128xi32, #tpu.memory_space<hbm>> -> memref<1x128xi32, #tpu.memory_space<hbm>>
        %dma_start3A_576 = tpu.memref_squeeze %dma_start3A_575 : memref<1x128xi32, #tpu.memory_space<hbm>> -> memref<128xi32, #tpu.memory_space<hbm>>
        tpu.enqueue_dma source(%dma_start3A_576 : memref<128xi32, #tpu.memory_space<hbm>>) target(%dma_start3A_569 : memref<128xi32, #tpu.memory_space<vmem>>) target_semaphore(%arg16 : memref<!tpu.dma_semaphore, #tpu.memory_space<semaphore_mem>>)
        %dma_start3A_577 = arith.constant 0 : i32
        %dma_start3A_578 = arith.constant 0 : i32
        %dma_start3A_579 = tpu.memref_slice %arg10[%dma_start3A_577, %dma_start3A_578] : memref<4x128xi32, #tpu.memory_space<vmem>> -> memref<1x128xi32, #tpu.memory_space<vmem>>
        %dma_start3A_580 = tpu.memref_squeeze %dma_start3A_579 : memref<1x128xi32, #tpu.memory_space<vmem>> -> memref<128xi32, #tpu.memory_space<vmem>>
        %dma_start3A_581 = arith.constant 0 : i32
        %dma_start3A_582 = arith.constant 0 : i32
        %dma_start3A_583 = tpu.memref_slice %arg4[%add3A, %dma_start3A_581, %dma_start3A_582] : memref<32x80x128xi32, #tpu.memory_space<hbm>> -> memref<1x80x128xi32, #tpu.memory_space<hbm>>
        %dma_start3A_584 = tpu.memref_squeeze %dma_start3A_583 : memref<1x80x128xi32, #tpu.memory_space<hbm>> -> memref<80x128xi32, #tpu.memory_space<hbm>>
        %dma_start3A_585 = arith.constant 0 : i32
        %dma_start3A_586 = tpu.memref_slice %dma_start3A_584[%add3A_555, %dma_start3A_585] : memref<80x128xi32, #tpu.memory_space<hbm>> -> memref<1x128xi32, #tpu.memory_space<hbm>>
        %dma_start3A_587 = tpu.memref_squeeze %dma_start3A_586 : memref<1x128xi32, #tpu.memory_space<hbm>> -> memref<128xi32, #tpu.memory_space<hbm>>
        %dma_start3A_588 = arith.constant 0 : i32
        %dma_start3A_589 = tpu.memref_slice %arg10[%dma_start3A_577, %dma_start3A_588] : memref<4x128xi32, #tpu.memory_space<vmem>> -> memref<1x128xi32, #tpu.memory_space<vmem>>
        %dma_start3A_590 = tpu.memref_squeeze %dma_start3A_589 : memref<1x128xi32, #tpu.memory_space<vmem>> -> memref<128xi32, #tpu.memory_space<vmem>>
        %dma_start3A_591 = arith.constant 0 : i32
        %dma_start3A_592 = arith.constant 0 : i32
        %dma_start3A_593 = tpu.memref_slice %arg4[%add3A, %dma_start3A_591, %dma_start3A_592] : memref<32x80x128xi32, #tpu.memory_space<hbm>> -> memref<1x80x128xi32, #tpu.memory_space<hbm>>
        %dma_start3A_594 = tpu.memref_squeeze %dma_start3A_593 : memref<1x80x128xi32, #tpu.memory_space<hbm>> -> memref<80x128xi32, #tpu.memory_space<hbm>>
        %dma_start3A_595 = arith.constant 0 : i32
        %dma_start3A_596 = tpu.memref_slice %dma_start3A_594[%add3A_555, %dma_start3A_595] : memref<80x128xi32, #tpu.memory_space<hbm>> -> memref<1x128xi32, #tpu.memory_space<hbm>>
        %dma_start3A_597 = tpu.memref_squeeze %dma_start3A_596 : memref<1x128xi32, #tpu.memory_space<hbm>> -> memref<128xi32, #tpu.memory_space<hbm>>
        tpu.enqueue_dma source(%dma_start3A_597 : memref<128xi32, #tpu.memory_space<hbm>>) target(%dma_start3A_590 : memref<128xi32, #tpu.memory_space<vmem>>) target_semaphore(%arg16 : memref<!tpu.dma_semaphore, #tpu.memory_space<semaphore_mem>>)
      } else {
      }
      %add3A_355 = arith.constant 2 : i32
      %add3A_356 = arith.addi %add3A_306, %add3A_355 : i32
      %lt3A_357 = arith.constant 80 : i32
      %lt3A_358 = arith.cmpi slt, %add3A_356, %lt3A_357 : i32
      %convert_element_type3A_359 = arith.extui %lt3A_358 : i1 to i32
      %cond3A_360 = arith.constant 0 : i32
      %cond3A_361 = arith.cmpi ne, %convert_element_type3A_359, %cond3A_360 : i32
      scf.if %cond3A_361 {
        %add3A_554 = arith.constant 2 : i32
        %add3A_555 = arith.addi %add3A_306, %add3A_554 : i32
        %dma_wait3A_556 = arith.constant 2 : i32
        %dma_wait3A_557 = arith.constant 0 : i32
        %dma_wait3A_558 = tpu.memref_slice %arg9[%dma_wait3A_556, %dma_wait3A_557] : memref<4x128xi32, #tpu.memory_space<vmem>> -> memref<1x128xi32, #tpu.memory_space<vmem>>
        %dma_wait3A_559 = tpu.memref_squeeze %dma_wait3A_558 : memref<1x128xi32, #tpu.memory_space<vmem>> -> memref<128xi32, #tpu.memory_space<vmem>>
        %dma_wait3A_560 = arith.constant 0 : i32
        %dma_wait3A_561 = arith.constant 0 : i32
        %dma_wait3A_562 = tpu.memref_slice %arg3[%add3A, %dma_wait3A_560, %dma_wait3A_561] : memref<32x80x128xi32, #tpu.memory_space<hbm>> -> memref<1x80x128xi32, #tpu.memory_space<hbm>>
        %dma_wait3A_563 = tpu.memref_squeeze %dma_wait3A_562 : memref<1x80x128xi32, #tpu.memory_space<hbm>> -> memref<80x128xi32, #tpu.memory_space<hbm>>
        %dma_wait3A_564 = arith.constant 0 : i32
        %dma_wait3A_565 = tpu.memref_slice %dma_wait3A_563[%add3A_555, %dma_wait3A_564] : memref<80x128xi32, #tpu.memory_space<hbm>> -> memref<1x128xi32, #tpu.memory_space<hbm>>
        %dma_wait3A_566 = tpu.memref_squeeze %dma_wait3A_565 : memref<1x128xi32, #tpu.memory_space<hbm>> -> memref<128xi32, #tpu.memory_space<hbm>>
        %dma_wait3A_567 = arith.constant 0 : i32
        %dma_wait3A_568 = tpu.memref_slice %arg9[%dma_wait3A_556, %dma_wait3A_567] : memref<4x128xi32, #tpu.memory_space<vmem>> -> memref<1x128xi32, #tpu.memory_space<vmem>>
        %dma_wait3A_569 = tpu.memref_squeeze %dma_wait3A_568 : memref<1x128xi32, #tpu.memory_space<vmem>> -> memref<128xi32, #tpu.memory_space<vmem>>
        %dma_wait3A_570 = arith.constant 0 : i32
        %dma_wait3A_571 = arith.constant 0 : i32
        %dma_wait3A_572 = tpu.memref_slice %arg3[%add3A, %dma_wait3A_570, %dma_wait3A_571] : memref<32x80x128xi32, #tpu.memory_space<hbm>> -> memref<1x80x128xi32, #tpu.memory_space<hbm>>
        %dma_wait3A_573 = tpu.memref_squeeze %dma_wait3A_572 : memref<1x80x128xi32, #tpu.memory_space<hbm>> -> memref<80x128xi32, #tpu.memory_space<hbm>>
        %dma_wait3A_574 = arith.constant 0 : i32
        %dma_wait3A_575 = tpu.memref_slice %dma_wait3A_573[%add3A_555, %dma_wait3A_574] : memref<80x128xi32, #tpu.memory_space<hbm>> -> memref<1x128xi32, #tpu.memory_space<hbm>>
        %dma_wait3A_576 = tpu.memref_squeeze %dma_wait3A_575 : memref<1x128xi32, #tpu.memory_space<hbm>> -> memref<128xi32, #tpu.memory_space<hbm>>
        tpu.wait_dma2 semaphore(%arg18 : memref<!tpu.dma_semaphore, #tpu.memory_space<semaphore_mem>>) src(%dma_wait3A_576 : memref<128xi32, #tpu.memory_space<hbm>>) dst(%dma_wait3A_569 : memref<128xi32, #tpu.memory_space<vmem>>)
        %dma_wait3A_577 = arith.constant 2 : i32
        %dma_wait3A_578 = arith.constant 0 : i32
        %dma_wait3A_579 = tpu.memref_slice %arg10[%dma_wait3A_577, %dma_wait3A_578] : memref<4x128xi32, #tpu.memory_space<vmem>> -> memref<1x128xi32, #tpu.memory_space<vmem>>
        %dma_wait3A_580 = tpu.memref_squeeze %dma_wait3A_579 : memref<1x128xi32, #tpu.memory_space<vmem>> -> memref<128xi32, #tpu.memory_space<vmem>>
        %dma_wait3A_581 = arith.constant 0 : i32
        %dma_wait3A_582 = arith.constant 0 : i32
        %dma_wait3A_583 = tpu.memref_slice %arg4[%add3A, %dma_wait3A_581, %dma_wait3A_582] : memref<32x80x128xi32, #tpu.memory_space<hbm>> -> memref<1x80x128xi32, #tpu.memory_space<hbm>>
        %dma_wait3A_584 = tpu.memref_squeeze %dma_wait3A_583 : memref<1x80x128xi32, #tpu.memory_space<hbm>> -> memref<80x128xi32, #tpu.memory_space<hbm>>
        %dma_wait3A_585 = arith.constant 0 : i32
        %dma_wait3A_586 = tpu.memref_slice %dma_wait3A_584[%add3A_555, %dma_wait3A_585] : memref<80x128xi32, #tpu.memory_space<hbm>> -> memref<1x128xi32, #tpu.memory_space<hbm>>
        %dma_wait3A_587 = tpu.memref_squeeze %dma_wait3A_586 : memref<1x128xi32, #tpu.memory_space<hbm>> -> memref<128xi32, #tpu.memory_space<hbm>>
        %dma_wait3A_588 = arith.constant 0 : i32
        %dma_wait3A_589 = tpu.memref_slice %arg10[%dma_wait3A_577, %dma_wait3A_588] : memref<4x128xi32, #tpu.memory_space<vmem>> -> memref<1x128xi32, #tpu.memory_space<vmem>>
        %dma_wait3A_590 = tpu.memref_squeeze %dma_wait3A_589 : memref<1x128xi32, #tpu.memory_space<vmem>> -> memref<128xi32, #tpu.memory_space<vmem>>
        %dma_wait3A_591 = arith.constant 0 : i32
        %dma_wait3A_592 = arith.constant 0 : i32
        %dma_wait3A_593 = tpu.memref_slice %arg4[%add3A, %dma_wait3A_591, %dma_wait3A_592] : memref<32x80x128xi32, #tpu.memory_space<hbm>> -> memref<1x80x128xi32, #tpu.memory_space<hbm>>
        %dma_wait3A_594 = tpu.memref_squeeze %dma_wait3A_593 : memref<1x80x128xi32, #tpu.memory_space<hbm>> -> memref<80x128xi32, #tpu.memory_space<hbm>>
        %dma_wait3A_595 = arith.constant 0 : i32
        %dma_wait3A_596 = tpu.memref_slice %dma_wait3A_594[%add3A_555, %dma_wait3A_595] : memref<80x128xi32, #tpu.memory_space<hbm>> -> memref<1x128xi32, #tpu.memory_space<hbm>>
        %dma_wait3A_597 = tpu.memref_squeeze %dma_wait3A_596 : memref<1x128xi32, #tpu.memory_space<hbm>> -> memref<128xi32, #tpu.memory_space<hbm>>
        tpu.wait_dma2 semaphore(%arg18 : memref<!tpu.dma_semaphore, #tpu.memory_space<semaphore_mem>>) src(%dma_wait3A_597 : memref<128xi32, #tpu.memory_space<hbm>>) dst(%dma_wait3A_590 : memref<128xi32, #tpu.memory_space<vmem>>)
        %dma_start3A_598 = arith.constant 2 : i32
        %dma_start3A_599 = arith.constant 0 : i32
        %dma_start3A_600 = arith.constant 0 : i32
        %dma_start3A_601 = arith.constant 0 : i32
        %dma_start3A_602 = tpu.memref_slice %arg11[%dma_start3A_599, %dma_start3A_600, %dma_start3A_601] : memref<2x128x128xf32, #tpu.memory_space<vmem>> -> memref<1x128x128xf32, #tpu.memory_space<vmem>>
        %dma_start3A_603 = tpu.memref_squeeze %dma_start3A_602 : memref<1x128x128xf32, #tpu.memory_space<vmem>> -> memref<128x128xf32, #tpu.memory_space<vmem>>
        %dma_start3A_604 = arith.constant 0 : i32
        %dma_start3A_605 = tpu.memref_slice %arg9[%dma_start3A_598, %dma_start3A_604] : memref<4x128xi32, #tpu.memory_space<vmem>> -> memref<1x128xi32, #tpu.memory_space<vmem>>
        %dma_start3A_606 = tpu.memref_squeeze %dma_start3A_605 : memref<1x128xi32, #tpu.memory_space<vmem>> -> memref<128xi32, #tpu.memory_space<vmem>>
        %dma_start3A_607 = arith.constant 0 : i32
        %dma_start3A_608 = arith.constant 0 : i32
        %dma_start3A_609 = tpu.memref_slice %arg2[%dma_start3A_607, %dma_start3A_608] : memref<10112x128xf32, #tpu.memory_space<hbm>> -> memref<10112x128xf32, #tpu.memory_space<hbm>>
        tpu.enqueue_indirect_dma source(%dma_start3A_609 : memref<10112x128xf32, #tpu.memory_space<hbm>>) target(%dma_start3A_603 : memref<128x128xf32, #tpu.memory_space<vmem>>) offsets(%dma_start3A_606 : memref<128xi32, #tpu.memory_space<vmem>>) semaphore(%arg14 : memref<!tpu.dma_semaphore, #tpu.memory_space<semaphore_mem>>)
      } else {
      }
      %mul3A_362 = arith.constant 4 : i32
      %mul3A_363 = arith.muli %scan3A_302, %mul3A_362 : i32
      %add3A_364 = arith.constant 1 : i32
      %add3A_365 = arith.addi %mul3A_363, %add3A_364 : i32
      %get3A_366 = arith.constant 1 : i32
      %get3A_367 = arith.index_cast %get3A_366 : i32 to index
      %get3A_368 = arith.constant 0 : index
      %get3A_369 = tpu.vector_load %arg10[%get3A_367, %get3A_368] {strides = array<i32>} : memref<4x128xi32, #tpu.memory_space<vmem>>, vector<16xi32>,
      tpu.vector_store_idx %arg12[%get3A_369], %broadcast_in_dim3A_5 {add = true} : memref<10112xf32, #tpu.memory_space<vmem>>[vector<16xi32>], vector<16xf32>,
      %get3A_370 = arith.constant 1 : i32
      %get3A_371 = arith.index_cast %get3A_370 : i32 to index
      %get3A_372 = arith.constant 16 : index
      %get3A_373 = tpu.vector_load %arg10[%get3A_371, %get3A_372] {strides = array<i32>} : memref<4x128xi32, #tpu.memory_space<vmem>>, vector<16xi32>,
      tpu.vector_store_idx %arg12[%get3A_373], %broadcast_in_dim3A_5 {add = true} : memref<10112xf32, #tpu.memory_space<vmem>>[vector<16xi32>], vector<16xf32>,
      %get3A_374 = arith.constant 1 : i32
      %get3A_375 = arith.index_cast %get3A_374 : i32 to index
      %get3A_376 = arith.constant 32 : index
      %get3A_377 = tpu.vector_load %arg10[%get3A_375, %get3A_376] {strides = array<i32>} : memref<4x128xi32, #tpu.memory_space<vmem>>, vector<16xi32>,
      tpu.vector_store_idx %arg12[%get3A_377], %broadcast_in_dim3A_5 {add = true} : memref<10112xf32, #tpu.memory_space<vmem>>[vector<16xi32>], vector<16xf32>,
      %get3A_378 = arith.constant 1 : i32
      %get3A_379 = arith.index_cast %get3A_378 : i32 to index
      %get3A_380 = arith.constant 48 : index
      %get3A_381 = tpu.vector_load %arg10[%get3A_379, %get3A_380] {strides = array<i32>} : memref<4x128xi32, #tpu.memory_space<vmem>>, vector<16xi32>,
      tpu.vector_store_idx %arg12[%get3A_381], %broadcast_in_dim3A_5 {add = true} : memref<10112xf32, #tpu.memory_space<vmem>>[vector<16xi32>], vector<16xf32>,
      %get3A_382 = arith.constant 1 : i32
      %get3A_383 = arith.index_cast %get3A_382 : i32 to index
      %get3A_384 = arith.constant 64 : index
      %get3A_385 = tpu.vector_load %arg10[%get3A_383, %get3A_384] {strides = array<i32>} : memref<4x128xi32, #tpu.memory_space<vmem>>, vector<16xi32>,
      tpu.vector_store_idx %arg12[%get3A_385], %broadcast_in_dim3A_5 {add = true} : memref<10112xf32, #tpu.memory_space<vmem>>[vector<16xi32>], vector<16xf32>,
      %get3A_386 = arith.constant 1 : i32
      %get3A_387 = arith.index_cast %get3A_386 : i32 to index
      %get3A_388 = arith.constant 80 : index
      %get3A_389 = tpu.vector_load %arg10[%get3A_387, %get3A_388] {strides = array<i32>} : memref<4x128xi32, #tpu.memory_space<vmem>>, vector<16xi32>,
      tpu.vector_store_idx %arg12[%get3A_389], %broadcast_in_dim3A_5 {add = true} : memref<10112xf32, #tpu.memory_space<vmem>>[vector<16xi32>], vector<16xf32>,
      %get3A_390 = arith.constant 1 : i32
      %get3A_391 = arith.index_cast %get3A_390 : i32 to index
      %get3A_392 = arith.constant 96 : index
      %get3A_393 = tpu.vector_load %arg10[%get3A_391, %get3A_392] {strides = array<i32>} : memref<4x128xi32, #tpu.memory_space<vmem>>, vector<16xi32>,
      tpu.vector_store_idx %arg12[%get3A_393], %broadcast_in_dim3A_5 {add = true} : memref<10112xf32, #tpu.memory_space<vmem>>[vector<16xi32>], vector<16xf32>,
      %get3A_394 = arith.constant 1 : i32
      %get3A_395 = arith.index_cast %get3A_394 : i32 to index
      %get3A_396 = arith.constant 112 : index
      %get3A_397 = tpu.vector_load %arg10[%get3A_395, %get3A_396] {strides = array<i32>} : memref<4x128xi32, #tpu.memory_space<vmem>>, vector<16xi32>,
      tpu.vector_store_idx %arg12[%get3A_397], %broadcast_in_dim3A_5 {add = true} : memref<10112xf32, #tpu.memory_space<vmem>>[vector<16xi32>], vector<16xf32>,
      %dma_wait3A_398 = arith.constant 1 : i32
      %dma_wait3A_399 = arith.constant 1 : i32
      %dma_wait3A_400 = arith.constant 0 : i32
      %dma_wait3A_401 = arith.constant 0 : i32
      %dma_wait3A_402 = tpu.memref_slice %arg11[%dma_wait3A_399, %dma_wait3A_400, %dma_wait3A_401] : memref<2x128x128xf32, #tpu.memory_space<vmem>> -> memref<1x128x128xf32, #tpu.memory_space<vmem>>
      %dma_wait3A_403 = tpu.memref_squeeze %dma_wait3A_402 : memref<1x128x128xf32, #tpu.memory_space<vmem>> -> memref<128x128xf32, #tpu.memory_space<vmem>>
      %dma_wait3A_404 = arith.constant 0 : i32
      %dma_wait3A_405 = tpu.memref_slice %arg9[%dma_wait3A_398, %dma_wait3A_404] : memref<4x128xi32, #tpu.memory_space<vmem>> -> memref<1x128xi32, #tpu.memory_space<vmem>>
      %dma_wait3A_406 = tpu.memref_squeeze %dma_wait3A_405 : memref<1x128xi32, #tpu.memory_space<vmem>> -> memref<128xi32, #tpu.memory_space<vmem>>
      %dma_wait3A_407 = arith.constant 0 : i32
      %dma_wait3A_408 = arith.constant 0 : i32
      %dma_wait3A_409 = tpu.memref_slice %arg2[%dma_wait3A_407, %dma_wait3A_408] : memref<10112x128xf32, #tpu.memory_space<hbm>> -> memref<10112x128xf32, #tpu.memory_space<hbm>>
      tpu.wait_indirect_dma semaphore(%arg15 : memref<!tpu.dma_semaphore, #tpu.memory_space<semaphore_mem>>) src(%dma_wait3A_409 : memref<10112x128xf32, #tpu.memory_space<hbm>>) dst(%dma_wait3A_403 : memref<128x128xf32, #tpu.memory_space<vmem>>)
      %run_scoped3A_410 = arith.constant 1 : i32
      %run_scoped3A_411 = arith.constant 1 : i32
      "tpu.region"() ({
        %run_scoped3A_554 = tpu.sem_alloc : memref<!tpu.dma_semaphore, #tpu.memory_space<semaphore_mem>>
        %dma_start3A_555 = arith.constant 0 : i32
        %dma_start3A_556 = arith.constant 0 : i32
        %dma_start3A_557 = tpu.memref_slice %arg11[%run_scoped3A_410, %dma_start3A_555, %dma_start3A_556] : memref<2x128x128xf32, #tpu.memory_space<vmem>> -> memref<1x128x128xf32, #tpu.memory_space<vmem>>
        %dma_start3A_558 = tpu.memref_squeeze %dma_start3A_557 : memref<1x128x128xf32, #tpu.memory_space<vmem>> -> memref<128x128xf32, #tpu.memory_space<vmem>>
        %dma_start3A_559 = arith.constant 0 : i32
        %dma_start3A_560 = tpu.memref_slice %arg10[%run_scoped3A_411, %dma_start3A_559] : memref<4x128xi32, #tpu.memory_space<vmem>> -> memref<1x128xi32, #tpu.memory_space<vmem>>
        %dma_start3A_561 = tpu.memref_squeeze %dma_start3A_560 : memref<1x128xi32, #tpu.memory_space<vmem>> -> memref<128xi32, #tpu.memory_space<vmem>>
        %dma_start3A_562 = arith.constant 0 : i32
        %dma_start3A_563 = arith.constant 0 : i32
        %dma_start3A_564 = tpu.memref_slice %arg13[%dma_start3A_562, %dma_start3A_563] : memref<10112x128xf32, #tpu.memory_space<vmem_shared>> -> memref<10112x128xf32, #tpu.memory_space<vmem_shared>>
        tpu.enqueue_indirect_dma source(%dma_start3A_558 : memref<128x128xf32, #tpu.memory_space<vmem>>) target(%dma_start3A_564 : memref<10112x128xf32, #tpu.memory_space<vmem_shared>>) offsets(%dma_start3A_561 : memref<128xi32, #tpu.memory_space<vmem>>) semaphore(%run_scoped3A_554 : memref<!tpu.dma_semaphore, #tpu.memory_space<semaphore_mem>>) {add = true}
        %dma_wait3A_565 = arith.constant 0 : i32
        %dma_wait3A_566 = arith.constant 0 : i32
        %dma_wait3A_567 = tpu.memref_slice %arg11[%run_scoped3A_410, %dma_wait3A_565, %dma_wait3A_566] : memref<2x128x128xf32, #tpu.memory_space<vmem>> -> memref<1x128x128xf32, #tpu.memory_space<vmem>>
        %dma_wait3A_568 = tpu.memref_squeeze %dma_wait3A_567 : memref<1x128x128xf32, #tpu.memory_space<vmem>> -> memref<128x128xf32, #tpu.memory_space<vmem>>
        %dma_wait3A_569 = arith.constant 0 : i32
        %dma_wait3A_570 = tpu.memref_slice %arg10[%run_scoped3A_411, %dma_wait3A_569] : memref<4x128xi32, #tpu.memory_space<vmem>> -> memref<1x128xi32, #tpu.memory_space<vmem>>
        %dma_wait3A_571 = tpu.memref_squeeze %dma_wait3A_570 : memref<1x128xi32, #tpu.memory_space<vmem>> -> memref<128xi32, #tpu.memory_space<vmem>>
        %dma_wait3A_572 = arith.constant 0 : i32
        %dma_wait3A_573 = arith.constant 0 : i32
        %dma_wait3A_574 = tpu.memref_slice %arg13[%dma_wait3A_572, %dma_wait3A_573] : memref<10112x128xf32, #tpu.memory_space<vmem_shared>> -> memref<10112x128xf32, #tpu.memory_space<vmem_shared>>
        tpu.wait_indirect_dma semaphore(%run_scoped3A_554 : memref<!tpu.dma_semaphore, #tpu.memory_space<semaphore_mem>>) src(%dma_wait3A_568 : memref<128x128xf32, #tpu.memory_space<vmem>>) dst(%dma_wait3A_574 : memref<10112x128xf32, #tpu.memory_space<vmem_shared>>)
        tpu.yield
      }) : () -> ()
      %add3A_412 = arith.constant 4 : i32
      %add3A_413 = arith.addi %add3A_365, %add3A_412 : i32
      %lt3A_414 = arith.constant 80 : i32
      %lt3A_415 = arith.cmpi slt, %add3A_413, %lt3A_414 : i32
      %convert_element_type3A_416 = arith.extui %lt3A_415 : i1 to i32
      %cond3A_417 = arith.constant 0 : i32
      %cond3A_418 = arith.cmpi ne, %convert_element_type3A_416, %cond3A_417 : i32
      scf.if %cond3A_418 {
        %add3A_554 = arith.constant 4 : i32
        %add3A_555 = arith.addi %add3A_365, %add3A_554 : i32
        %dma_start3A_556 = arith.constant 1 : i32
        %dma_start3A_557 = arith.constant 0 : i32
        %dma_start3A_558 = tpu.memref_slice %arg9[%dma_start3A_556, %dma_start3A_557] : memref<4x128xi32, #tpu.memory_space<vmem>> -> memref<1x128xi32, #tpu.memory_space<vmem>>
        %dma_start3A_559 = tpu.memref_squeeze %dma_start3A_558 : memref<1x128xi32, #tpu.memory_space<vmem>> -> memref<128xi32, #tpu.memory_space<vmem>>
        %dma_start3A_560 = arith.constant 0 : i32
        %dma_start3A_561 = arith.constant 0 : i32
        %dma_start3A_562 = tpu.memref_slice %arg3[%add3A, %dma_start3A_560, %dma_start3A_561] : memref<32x80x128xi32, #tpu.memory_space<hbm>> -> memref<1x80x128xi32, #tpu.memory_space<hbm>>
        %dma_start3A_563 = tpu.memref_squeeze %dma_start3A_562 : memref<1x80x128xi32, #tpu.memory_space<hbm>> -> memref<80x128xi32, #tpu.memory_space<hbm>>
        %dma_start3A_564 = arith.constant 0 : i32
        %dma_start3A_565 = tpu.memref_slice %dma_start3A_563[%add3A_555, %dma_start3A_564] : memref<80x128xi32, #tpu.memory_space<hbm>> -> memref<1x128xi32, #tpu.memory_space<hbm>>
        %dma_start3A_566 = tpu.memref_squeeze %dma_start3A_565 : memref<1x128xi32, #tpu.memory_space<hbm>> -> memref<128xi32, #tpu.memory_space<hbm>>
        %dma_start3A_567 = arith.constant 0 : i32
        %dma_start3A_568 = tpu.memref_slice %arg9[%dma_start3A_556, %dma_start3A_567] : memref<4x128xi32, #tpu.memory_space<vmem>> -> memref<1x128xi32, #tpu.memory_space<vmem>>
        %dma_start3A_569 = tpu.memref_squeeze %dma_start3A_568 : memref<1x128xi32, #tpu.memory_space<vmem>> -> memref<128xi32, #tpu.memory_space<vmem>>
        %dma_start3A_570 = arith.constant 0 : i32
        %dma_start3A_571 = arith.constant 0 : i32
        %dma_start3A_572 = tpu.memref_slice %arg3[%add3A, %dma_start3A_570, %dma_start3A_571] : memref<32x80x128xi32, #tpu.memory_space<hbm>> -> memref<1x80x128xi32, #tpu.memory_space<hbm>>
        %dma_start3A_573 = tpu.memref_squeeze %dma_start3A_572 : memref<1x80x128xi32, #tpu.memory_space<hbm>> -> memref<80x128xi32, #tpu.memory_space<hbm>>
        %dma_start3A_574 = arith.constant 0 : i32
        %dma_start3A_575 = tpu.memref_slice %dma_start3A_573[%add3A_555, %dma_start3A_574] : memref<80x128xi32, #tpu.memory_space<hbm>> -> memref<1x128xi32, #tpu.memory_space<hbm>>
        %dma_start3A_576 = tpu.memref_squeeze %dma_start3A_575 : memref<1x128xi32, #tpu.memory_space<hbm>> -> memref<128xi32, #tpu.memory_space<hbm>>
        tpu.enqueue_dma source(%dma_start3A_576 : memref<128xi32, #tpu.memory_space<hbm>>) target(%dma_start3A_569 : memref<128xi32, #tpu.memory_space<vmem>>) target_semaphore(%arg17 : memref<!tpu.dma_semaphore, #tpu.memory_space<semaphore_mem>>)
        %dma_start3A_577 = arith.constant 1 : i32
        %dma_start3A_578 = arith.constant 0 : i32
        %dma_start3A_579 = tpu.memref_slice %arg10[%dma_start3A_577, %dma_start3A_578] : memref<4x128xi32, #tpu.memory_space<vmem>> -> memref<1x128xi32, #tpu.memory_space<vmem>>
        %dma_start3A_580 = tpu.memref_squeeze %dma_start3A_579 : memref<1x128xi32, #tpu.memory_space<vmem>> -> memref<128xi32, #tpu.memory_space<vmem>>
        %dma_start3A_581 = arith.constant 0 : i32
        %dma_start3A_582 = arith.constant 0 : i32
        %dma_start3A_583 = tpu.memref_slice %arg4[%add3A, %dma_start3A_581, %dma_start3A_582] : memref<32x80x128xi32, #tpu.memory_space<hbm>> -> memref<1x80x128xi32, #tpu.memory_space<hbm>>
        %dma_start3A_584 = tpu.memref_squeeze %dma_start3A_583 : memref<1x80x128xi32, #tpu.memory_space<hbm>> -> memref<80x128xi32, #tpu.memory_space<hbm>>
        %dma_start3A_585 = arith.constant 0 : i32
        %dma_start3A_586 = tpu.memref_slice %dma_start3A_584[%add3A_555, %dma_start3A_585] : memref<80x128xi32, #tpu.memory_space<hbm>> -> memref<1x128xi32, #tpu.memory_space<hbm>>
        %dma_start3A_587 = tpu.memref_squeeze %dma_start3A_586 : memref<1x128xi32, #tpu.memory_space<hbm>> -> memref<128xi32, #tpu.memory_space<hbm>>
        %dma_start3A_588 = arith.constant 0 : i32
        %dma_start3A_589 = tpu.memref_slice %arg10[%dma_start3A_577, %dma_start3A_588] : memref<4x128xi32, #tpu.memory_space<vmem>> -> memref<1x128xi32, #tpu.memory_space<vmem>>
        %dma_start3A_590 = tpu.memref_squeeze %dma_start3A_589 : memref<1x128xi32, #tpu.memory_space<vmem>> -> memref<128xi32, #tpu.memory_space<vmem>>
        %dma_start3A_591 = arith.constant 0 : i32
        %dma_start3A_592 = arith.constant 0 : i32
        %dma_start3A_593 = tpu.memref_slice %arg4[%add3A, %dma_start3A_591, %dma_start3A_592] : memref<32x80x128xi32, #tpu.memory_space<hbm>> -> memref<1x80x128xi32, #tpu.memory_space<hbm>>
        %dma_start3A_594 = tpu.memref_squeeze %dma_start3A_593 : memref<1x80x128xi32, #tpu.memory_space<hbm>> -> memref<80x128xi32, #tpu.memory_space<hbm>>
        %dma_start3A_595 = arith.constant 0 : i32
        %dma_start3A_596 = tpu.memref_slice %dma_start3A_594[%add3A_555, %dma_start3A_595] : memref<80x128xi32, #tpu.memory_space<hbm>> -> memref<1x128xi32, #tpu.memory_space<hbm>>
        %dma_start3A_597 = tpu.memref_squeeze %dma_start3A_596 : memref<1x128xi32, #tpu.memory_space<hbm>> -> memref<128xi32, #tpu.memory_space<hbm>>
        tpu.enqueue_dma source(%dma_start3A_597 : memref<128xi32, #tpu.memory_space<hbm>>) target(%dma_start3A_590 : memref<128xi32, #tpu.memory_space<vmem>>) target_semaphore(%arg17 : memref<!tpu.dma_semaphore, #tpu.memory_space<semaphore_mem>>)
      } else {
      }
      %add3A_419 = arith.constant 2 : i32
      %add3A_420 = arith.addi %add3A_365, %add3A_419 : i32
      %lt3A_421 = arith.constant 80 : i32
      %lt3A_422 = arith.cmpi slt, %add3A_420, %lt3A_421 : i32
      %convert_element_type3A_423 = arith.extui %lt3A_422 : i1 to i32
      %cond3A_424 = arith.constant 0 : i32
      %cond3A_425 = arith.cmpi ne, %convert_element_type3A_423, %cond3A_424 : i32
      scf.if %cond3A_425 {
        %add3A_554 = arith.constant 2 : i32
        %add3A_555 = arith.addi %add3A_365, %add3A_554 : i32
        %dma_wait3A_556 = arith.constant 3 : i32
        %dma_wait3A_557 = arith.constant 0 : i32
        %dma_wait3A_558 = tpu.memref_slice %arg9[%dma_wait3A_556, %dma_wait3A_557] : memref<4x128xi32, #tpu.memory_space<vmem>> -> memref<1x128xi32, #tpu.memory_space<vmem>>
        %dma_wait3A_559 = tpu.memref_squeeze %dma_wait3A_558 : memref<1x128xi32, #tpu.memory_space<vmem>> -> memref<128xi32, #tpu.memory_space<vmem>>
        %dma_wait3A_560 = arith.constant 0 : i32
        %dma_wait3A_561 = arith.constant 0 : i32
        %dma_wait3A_562 = tpu.memref_slice %arg3[%add3A, %dma_wait3A_560, %dma_wait3A_561] : memref<32x80x128xi32, #tpu.memory_space<hbm>> -> memref<1x80x128xi32, #tpu.memory_space<hbm>>
        %dma_wait3A_563 = tpu.memref_squeeze %dma_wait3A_562 : memref<1x80x128xi32, #tpu.memory_space<hbm>> -> memref<80x128xi32, #tpu.memory_space<hbm>>
        %dma_wait3A_564 = arith.constant 0 : i32
        %dma_wait3A_565 = tpu.memref_slice %dma_wait3A_563[%add3A_555, %dma_wait3A_564] : memref<80x128xi32, #tpu.memory_space<hbm>> -> memref<1x128xi32, #tpu.memory_space<hbm>>
        %dma_wait3A_566 = tpu.memref_squeeze %dma_wait3A_565 : memref<1x128xi32, #tpu.memory_space<hbm>> -> memref<128xi32, #tpu.memory_space<hbm>>
        %dma_wait3A_567 = arith.constant 0 : i32
        %dma_wait3A_568 = tpu.memref_slice %arg9[%dma_wait3A_556, %dma_wait3A_567] : memref<4x128xi32, #tpu.memory_space<vmem>> -> memref<1x128xi32, #tpu.memory_space<vmem>>
        %dma_wait3A_569 = tpu.memref_squeeze %dma_wait3A_568 : memref<1x128xi32, #tpu.memory_space<vmem>> -> memref<128xi32, #tpu.memory_space<vmem>>
        %dma_wait3A_570 = arith.constant 0 : i32
        %dma_wait3A_571 = arith.constant 0 : i32
        %dma_wait3A_572 = tpu.memref_slice %arg3[%add3A, %dma_wait3A_570, %dma_wait3A_571] : memref<32x80x128xi32, #tpu.memory_space<hbm>> -> memref<1x80x128xi32, #tpu.memory_space<hbm>>
        %dma_wait3A_573 = tpu.memref_squeeze %dma_wait3A_572 : memref<1x80x128xi32, #tpu.memory_space<hbm>> -> memref<80x128xi32, #tpu.memory_space<hbm>>
        %dma_wait3A_574 = arith.constant 0 : i32
        %dma_wait3A_575 = tpu.memref_slice %dma_wait3A_573[%add3A_555, %dma_wait3A_574] : memref<80x128xi32, #tpu.memory_space<hbm>> -> memref<1x128xi32, #tpu.memory_space<hbm>>
        %dma_wait3A_576 = tpu.memref_squeeze %dma_wait3A_575 : memref<1x128xi32, #tpu.memory_space<hbm>> -> memref<128xi32, #tpu.memory_space<hbm>>
        tpu.wait_dma2 semaphore(%arg19 : memref<!tpu.dma_semaphore, #tpu.memory_space<semaphore_mem>>) src(%dma_wait3A_576 : memref<128xi32, #tpu.memory_space<hbm>>) dst(%dma_wait3A_569 : memref<128xi32, #tpu.memory_space<vmem>>)
        %dma_wait3A_577 = arith.constant 3 : i32
        %dma_wait3A_578 = arith.constant 0 : i32
        %dma_wait3A_579 = tpu.memref_slice %arg10[%dma_wait3A_577, %dma_wait3A_578] : memref<4x128xi32, #tpu.memory_space<vmem>> -> memref<1x128xi32, #tpu.memory_space<vmem>>
        %dma_wait3A_580 = tpu.memref_squeeze %dma_wait3A_579 : memref<1x128xi32, #tpu.memory_space<vmem>> -> memref<128xi32, #tpu.memory_space<vmem>>
        %dma_wait3A_581 = arith.constant 0 : i32
        %dma_wait3A_582 = arith.constant 0 : i32
        %dma_wait3A_583 = tpu.memref_slice %arg4[%add3A, %dma_wait3A_581, %dma_wait3A_582] : memref<32x80x128xi32, #tpu.memory_space<hbm>> -> memref<1x80x128xi32, #tpu.memory_space<hbm>>
        %dma_wait3A_584 = tpu.memref_squeeze %dma_wait3A_583 : memref<1x80x128xi32, #tpu.memory_space<hbm>> -> memref<80x128xi32, #tpu.memory_space<hbm>>
        %dma_wait3A_585 = arith.constant 0 : i32
        %dma_wait3A_586 = tpu.memref_slice %dma_wait3A_584[%add3A_555, %dma_wait3A_585] : memref<80x128xi32, #tpu.memory_space<hbm>> -> memref<1x128xi32, #tpu.memory_space<hbm>>
        %dma_wait3A_587 = tpu.memref_squeeze %dma_wait3A_586 : memref<1x128xi32, #tpu.memory_space<hbm>> -> memref<128xi32, #tpu.memory_space<hbm>>
        %dma_wait3A_588 = arith.constant 0 : i32
        %dma_wait3A_589 = tpu.memref_slice %arg10[%dma_wait3A_577, %dma_wait3A_588] : memref<4x128xi32, #tpu.memory_space<vmem>> -> memref<1x128xi32, #tpu.memory_space<vmem>>
        %dma_wait3A_590 = tpu.memref_squeeze %dma_wait3A_589 : memref<1x128xi32, #tpu.memory_space<vmem>> -> memref<128xi32, #tpu.memory_space<vmem>>
        %dma_wait3A_591 = arith.constant 0 : i32
        %dma_wait3A_592 = arith.constant 0 : i32
        %dma_wait3A_593 = tpu.memref_slice %arg4[%add3A, %dma_wait3A_591, %dma_wait3A_592] : memref<32x80x128xi32, #tpu.memory_space<hbm>> -> memref<1x80x128xi32, #tpu.memory_space<hbm>>
        %dma_wait3A_594 = tpu.memref_squeeze %dma_wait3A_593 : memref<1x80x128xi32, #tpu.memory_space<hbm>> -> memref<80x128xi32, #tpu.memory_space<hbm>>
        %dma_wait3A_595 = arith.constant 0 : i32
        %dma_wait3A_596 = tpu.memref_slice %dma_wait3A_594[%add3A_555, %dma_wait3A_595] : memref<80x128xi32, #tpu.memory_space<hbm>> -> memref<1x128xi32, #tpu.memory_space<hbm>>
        %dma_wait3A_597 = tpu.memref_squeeze %dma_wait3A_596 : memref<1x128xi32, #tpu.memory_space<hbm>> -> memref<128xi32, #tpu.memory_space<hbm>>
        tpu.wait_dma2 semaphore(%arg19 : memref<!tpu.dma_semaphore, #tpu.memory_space<semaphore_mem>>) src(%dma_wait3A_597 : memref<128xi32, #tpu.memory_space<hbm>>) dst(%dma_wait3A_590 : memref<128xi32, #tpu.memory_space<vmem>>)
        %dma_start3A_598 = arith.constant 3 : i32
        %dma_start3A_599 = arith.constant 1 : i32
        %dma_start3A_600 = arith.constant 0 : i32
        %dma_start3A_601 = arith.constant 0 : i32
        %dma_start3A_602 = tpu.memref_slice %arg11[%dma_start3A_599, %dma_start3A_600, %dma_start3A_601] : memref<2x128x128xf32, #tpu.memory_space<vmem>> -> memref<1x128x128xf32, #tpu.memory_space<vmem>>
        %dma_start3A_603 = tpu.memref_squeeze %dma_start3A_602 : memref<1x128x128xf32, #tpu.memory_space<vmem>> -> memref<128x128xf32, #tpu.memory_space<vmem>>
        %dma_start3A_604 = arith.constant 0 : i32
        %dma_start3A_605 = tpu.memref_slice %arg9[%dma_start3A_598, %dma_start3A_604] : memref<4x128xi32, #tpu.memory_space<vmem>> -> memref<1x128xi32, #tpu.memory_space<vmem>>
        %dma_start3A_606 = tpu.memref_squeeze %dma_start3A_605 : memref<1x128xi32, #tpu.memory_space<vmem>> -> memref<128xi32, #tpu.memory_space<vmem>>
        %dma_start3A_607 = arith.constant 0 : i32
        %dma_start3A_608 = arith.constant 0 : i32
        %dma_start3A_609 = tpu.memref_slice %arg2[%dma_start3A_607, %dma_start3A_608] : memref<10112x128xf32, #tpu.memory_space<hbm>> -> memref<10112x128xf32, #tpu.memory_space<hbm>>
        tpu.enqueue_indirect_dma source(%dma_start3A_609 : memref<10112x128xf32, #tpu.memory_space<hbm>>) target(%dma_start3A_603 : memref<128x128xf32, #tpu.memory_space<vmem>>) offsets(%dma_start3A_606 : memref<128xi32, #tpu.memory_space<vmem>>) semaphore(%arg15 : memref<!tpu.dma_semaphore, #tpu.memory_space<semaphore_mem>>)
      } else {
      }
      %mul3A_426 = arith.constant 4 : i32
      %mul3A_427 = arith.muli %scan3A_302, %mul3A_426 : i32
      %add3A_428 = arith.constant 2 : i32
      %add3A_429 = arith.addi %mul3A_427, %add3A_428 : i32
      %get3A_430 = arith.constant 2 : i32
      %get3A_431 = arith.index_cast %get3A_430 : i32 to index
      %get3A_432 = arith.constant 0 : index
      %get3A_433 = tpu.vector_load %arg10[%get3A_431, %get3A_432] {strides = array<i32>} : memref<4x128xi32, #tpu.memory_space<vmem>>, vector<16xi32>,
      tpu.vector_store_idx %arg12[%get3A_433], %broadcast_in_dim3A_5 {add = true} : memref<10112xf32, #tpu.memory_space<vmem>>[vector<16xi32>], vector<16xf32>,
      %get3A_434 = arith.constant 2 : i32
      %get3A_435 = arith.index_cast %get3A_434 : i32 to index
      %get3A_436 = arith.constant 16 : index
      %get3A_437 = tpu.vector_load %arg10[%get3A_435, %get3A_436] {strides = array<i32>} : memref<4x128xi32, #tpu.memory_space<vmem>>, vector<16xi32>,
      tpu.vector_store_idx %arg12[%get3A_437], %broadcast_in_dim3A_5 {add = true} : memref<10112xf32, #tpu.memory_space<vmem>>[vector<16xi32>], vector<16xf32>,
      %get3A_438 = arith.constant 2 : i32
      %get3A_439 = arith.index_cast %get3A_438 : i32 to index
      %get3A_440 = arith.constant 32 : index
      %get3A_441 = tpu.vector_load %arg10[%get3A_439, %get3A_440] {strides = array<i32>} : memref<4x128xi32, #tpu.memory_space<vmem>>, vector<16xi32>,
      tpu.vector_store_idx %arg12[%get3A_441], %broadcast_in_dim3A_5 {add = true} : memref<10112xf32, #tpu.memory_space<vmem>>[vector<16xi32>], vector<16xf32>,
      %get3A_442 = arith.constant 2 : i32
      %get3A_443 = arith.index_cast %get3A_442 : i32 to index
      %get3A_444 = arith.constant 48 : index
      %get3A_445 = tpu.vector_load %arg10[%get3A_443, %get3A_444] {strides = array<i32>} : memref<4x128xi32, #tpu.memory_space<vmem>>, vector<16xi32>,
      tpu.vector_store_idx %arg12[%get3A_445], %broadcast_in_dim3A_5 {add = true} : memref<10112xf32, #tpu.memory_space<vmem>>[vector<16xi32>], vector<16xf32>,
      %get3A_446 = arith.constant 2 : i32
      %get3A_447 = arith.index_cast %get3A_446 : i32 to index
      %get3A_448 = arith.constant 64 : index
      %get3A_449 = tpu.vector_load %arg10[%get3A_447, %get3A_448] {strides = array<i32>} : memref<4x128xi32, #tpu.memory_space<vmem>>, vector<16xi32>,
      tpu.vector_store_idx %arg12[%get3A_449], %broadcast_in_dim3A_5 {add = true} : memref<10112xf32, #tpu.memory_space<vmem>>[vector<16xi32>], vector<16xf32>,
      %get3A_450 = arith.constant 2 : i32
      %get3A_451 = arith.index_cast %get3A_450 : i32 to index
      %get3A_452 = arith.constant 80 : index
      %get3A_453 = tpu.vector_load %arg10[%get3A_451, %get3A_452] {strides = array<i32>} : memref<4x128xi32, #tpu.memory_space<vmem>>, vector<16xi32>,
      tpu.vector_store_idx %arg12[%get3A_453], %broadcast_in_dim3A_5 {add = true} : memref<10112xf32, #tpu.memory_space<vmem>>[vector<16xi32>], vector<16xf32>,
      %get3A_454 = arith.constant 2 : i32
      %get3A_455 = arith.index_cast %get3A_454 : i32 to index
      %get3A_456 = arith.constant 96 : index
      %get3A_457 = tpu.vector_load %arg10[%get3A_455, %get3A_456] {strides = array<i32>} : memref<4x128xi32, #tpu.memory_space<vmem>>, vector<16xi32>,
      tpu.vector_store_idx %arg12[%get3A_457], %broadcast_in_dim3A_5 {add = true} : memref<10112xf32, #tpu.memory_space<vmem>>[vector<16xi32>], vector<16xf32>,
      %get3A_458 = arith.constant 2 : i32
      %get3A_459 = arith.index_cast %get3A_458 : i32 to index
      %get3A_460 = arith.constant 112 : index
      %get3A_461 = tpu.vector_load %arg10[%get3A_459, %get3A_460] {strides = array<i32>} : memref<4x128xi32, #tpu.memory_space<vmem>>, vector<16xi32>,
      tpu.vector_store_idx %arg12[%get3A_461], %broadcast_in_dim3A_5 {add = true} : memref<10112xf32, #tpu.memory_space<vmem>>[vector<16xi32>], vector<16xf32>,
      %dma_wait3A_462 = arith.constant 2 : i32
      %dma_wait3A_463 = arith.constant 0 : i32
      %dma_wait3A_464 = arith.constant 0 : i32
      %dma_wait3A_465 = arith.constant 0 : i32
      %dma_wait3A_466 = tpu.memref_slice %arg11[%dma_wait3A_463, %dma_wait3A_464, %dma_wait3A_465] : memref<2x128x128xf32, #tpu.memory_space<vmem>> -> memref<1x128x128xf32, #tpu.memory_space<vmem>>
      %dma_wait3A_467 = tpu.memref_squeeze %dma_wait3A_466 : memref<1x128x128xf32, #tpu.memory_space<vmem>> -> memref<128x128xf32, #tpu.memory_space<vmem>>
      %dma_wait3A_468 = arith.constant 0 : i32
      %dma_wait3A_469 = tpu.memref_slice %arg9[%dma_wait3A_462, %dma_wait3A_468] : memref<4x128xi32, #tpu.memory_space<vmem>> -> memref<1x128xi32, #tpu.memory_space<vmem>>
      %dma_wait3A_470 = tpu.memref_squeeze %dma_wait3A_469 : memref<1x128xi32, #tpu.memory_space<vmem>> -> memref<128xi32, #tpu.memory_space<vmem>>
      %dma_wait3A_471 = arith.constant 0 : i32
      %dma_wait3A_472 = arith.constant 0 : i32
      %dma_wait3A_473 = tpu.memref_slice %arg2[%dma_wait3A_471, %dma_wait3A_472] : memref<10112x128xf32, #tpu.memory_space<hbm>> -> memref<10112x128xf32, #tpu.memory_space<hbm>>
      tpu.wait_indirect_dma semaphore(%arg14 : memref<!tpu.dma_semaphore, #tpu.memory_space<semaphore_mem>>) src(%dma_wait3A_473 : memref<10112x128xf32, #tpu.memory_space<hbm>>) dst(%dma_wait3A_467 : memref<128x128xf32, #tpu.memory_space<vmem>>)
      %run_scoped3A_474 = arith.constant 0 : i32
      %run_scoped3A_475 = arith.constant 2 : i32
      "tpu.region"() ({
        %run_scoped3A_554 = tpu.sem_alloc : memref<!tpu.dma_semaphore, #tpu.memory_space<semaphore_mem>>
        %dma_start3A_555 = arith.constant 0 : i32
        %dma_start3A_556 = arith.constant 0 : i32
        %dma_start3A_557 = tpu.memref_slice %arg11[%run_scoped3A_474, %dma_start3A_555, %dma_start3A_556] : memref<2x128x128xf32, #tpu.memory_space<vmem>> -> memref<1x128x128xf32, #tpu.memory_space<vmem>>
        %dma_start3A_558 = tpu.memref_squeeze %dma_start3A_557 : memref<1x128x128xf32, #tpu.memory_space<vmem>> -> memref<128x128xf32, #tpu.memory_space<vmem>>
        %dma_start3A_559 = arith.constant 0 : i32
        %dma_start3A_560 = tpu.memref_slice %arg10[%run_scoped3A_475, %dma_start3A_559] : memref<4x128xi32, #tpu.memory_space<vmem>> -> memref<1x128xi32, #tpu.memory_space<vmem>>
        %dma_start3A_561 = tpu.memref_squeeze %dma_start3A_560 : memref<1x128xi32, #tpu.memory_space<vmem>> -> memref<128xi32, #tpu.memory_space<vmem>>
        %dma_start3A_562 = arith.constant 0 : i32
        %dma_start3A_563 = arith.constant 0 : i32
        %dma_start3A_564 = tpu.memref_slice %arg13[%dma_start3A_562, %dma_start3A_563] : memref<10112x128xf32, #tpu.memory_space<vmem_shared>> -> memref<10112x128xf32, #tpu.memory_space<vmem_shared>>
        tpu.enqueue_indirect_dma source(%dma_start3A_558 : memref<128x128xf32, #tpu.memory_space<vmem>>) target(%dma_start3A_564 : memref<10112x128xf32, #tpu.memory_space<vmem_shared>>) offsets(%dma_start3A_561 : memref<128xi32, #tpu.memory_space<vmem>>) semaphore(%run_scoped3A_554 : memref<!tpu.dma_semaphore, #tpu.memory_space<semaphore_mem>>) {add = true}
        %dma_wait3A_565 = arith.constant 0 : i32
        %dma_wait3A_566 = arith.constant 0 : i32
        %dma_wait3A_567 = tpu.memref_slice %arg11[%run_scoped3A_474, %dma_wait3A_565, %dma_wait3A_566] : memref<2x128x128xf32, #tpu.memory_space<vmem>> -> memref<1x128x128xf32, #tpu.memory_space<vmem>>
        %dma_wait3A_568 = tpu.memref_squeeze %dma_wait3A_567 : memref<1x128x128xf32, #tpu.memory_space<vmem>> -> memref<128x128xf32, #tpu.memory_space<vmem>>
        %dma_wait3A_569 = arith.constant 0 : i32
        %dma_wait3A_570 = tpu.memref_slice %arg10[%run_scoped3A_475, %dma_wait3A_569] : memref<4x128xi32, #tpu.memory_space<vmem>> -> memref<1x128xi32, #tpu.memory_space<vmem>>
        %dma_wait3A_571 = tpu.memref_squeeze %dma_wait3A_570 : memref<1x128xi32, #tpu.memory_space<vmem>> -> memref<128xi32, #tpu.memory_space<vmem>>
        %dma_wait3A_572 = arith.constant 0 : i32
        %dma_wait3A_573 = arith.constant 0 : i32
        %dma_wait3A_574 = tpu.memref_slice %arg13[%dma_wait3A_572, %dma_wait3A_573] : memref<10112x128xf32, #tpu.memory_space<vmem_shared>> -> memref<10112x128xf32, #tpu.memory_space<vmem_shared>>
        tpu.wait_indirect_dma semaphore(%run_scoped3A_554 : memref<!tpu.dma_semaphore, #tpu.memory_space<semaphore_mem>>) src(%dma_wait3A_568 : memref<128x128xf32, #tpu.memory_space<vmem>>) dst(%dma_wait3A_574 : memref<10112x128xf32, #tpu.memory_space<vmem_shared>>)
        tpu.yield
      }) : () -> ()
      %add3A_476 = arith.constant 4 : i32
      %add3A_477 = arith.addi %add3A_429, %add3A_476 : i32
      %lt3A_478 = arith.constant 80 : i32
      %lt3A_479 = arith.cmpi slt, %add3A_477, %lt3A_478 : i32
      %convert_element_type3A_480 = arith.extui %lt3A_479 : i1 to i32
      %cond3A_481 = arith.constant 0 : i32
      %cond3A_482 = arith.cmpi ne, %convert_element_type3A_480, %cond3A_481 : i32
      scf.if %cond3A_482 {
        %add3A_554 = arith.constant 4 : i32
        %add3A_555 = arith.addi %add3A_429, %add3A_554 : i32
        %dma_start3A_556 = arith.constant 2 : i32
        %dma_start3A_557 = arith.constant 0 : i32
        %dma_start3A_558 = tpu.memref_slice %arg9[%dma_start3A_556, %dma_start3A_557] : memref<4x128xi32, #tpu.memory_space<vmem>> -> memref<1x128xi32, #tpu.memory_space<vmem>>
        %dma_start3A_559 = tpu.memref_squeeze %dma_start3A_558 : memref<1x128xi32, #tpu.memory_space<vmem>> -> memref<128xi32, #tpu.memory_space<vmem>>
        %dma_start3A_560 = arith.constant 0 : i32
        %dma_start3A_561 = arith.constant 0 : i32
        %dma_start3A_562 = tpu.memref_slice %arg3[%add3A, %dma_start3A_560, %dma_start3A_561] : memref<32x80x128xi32, #tpu.memory_space<hbm>> -> memref<1x80x128xi32, #tpu.memory_space<hbm>>
        %dma_start3A_563 = tpu.memref_squeeze %dma_start3A_562 : memref<1x80x128xi32, #tpu.memory_space<hbm>> -> memref<80x128xi32, #tpu.memory_space<hbm>>
        %dma_start3A_564 = arith.constant 0 : i32
        %dma_start3A_565 = tpu.memref_slice %dma_start3A_563[%add3A_555, %dma_start3A_564] : memref<80x128xi32, #tpu.memory_space<hbm>> -> memref<1x128xi32, #tpu.memory_space<hbm>>
        %dma_start3A_566 = tpu.memref_squeeze %dma_start3A_565 : memref<1x128xi32, #tpu.memory_space<hbm>> -> memref<128xi32, #tpu.memory_space<hbm>>
        %dma_start3A_567 = arith.constant 0 : i32
        %dma_start3A_568 = tpu.memref_slice %arg9[%dma_start3A_556, %dma_start3A_567] : memref<4x128xi32, #tpu.memory_space<vmem>> -> memref<1x128xi32, #tpu.memory_space<vmem>>
        %dma_start3A_569 = tpu.memref_squeeze %dma_start3A_568 : memref<1x128xi32, #tpu.memory_space<vmem>> -> memref<128xi32, #tpu.memory_space<vmem>>
        %dma_start3A_570 = arith.constant 0 : i32
        %dma_start3A_571 = arith.constant 0 : i32
        %dma_start3A_572 = tpu.memref_slice %arg3[%add3A, %dma_start3A_570, %dma_start3A_571] : memref<32x80x128xi32, #tpu.memory_space<hbm>> -> memref<1x80x128xi32, #tpu.memory_space<hbm>>
        %dma_start3A_573 = tpu.memref_squeeze %dma_start3A_572 : memref<1x80x128xi32, #tpu.memory_space<hbm>> -> memref<80x128xi32, #tpu.memory_space<hbm>>
        %dma_start3A_574 = arith.constant 0 : i32
        %dma_start3A_575 = tpu.memref_slice %dma_start3A_573[%add3A_555, %dma_start3A_574] : memref<80x128xi32, #tpu.memory_space<hbm>> -> memref<1x128xi32, #tpu.memory_space<hbm>>
        %dma_start3A_576 = tpu.memref_squeeze %dma_start3A_575 : memref<1x128xi32, #tpu.memory_space<hbm>> -> memref<128xi32, #tpu.memory_space<hbm>>
        tpu.enqueue_dma source(%dma_start3A_576 : memref<128xi32, #tpu.memory_space<hbm>>) target(%dma_start3A_569 : memref<128xi32, #tpu.memory_space<vmem>>) target_semaphore(%arg18 : memref<!tpu.dma_semaphore, #tpu.memory_space<semaphore_mem>>)
        %dma_start3A_577 = arith.constant 2 : i32
        %dma_start3A_578 = arith.constant 0 : i32
        %dma_start3A_579 = tpu.memref_slice %arg10[%dma_start3A_577, %dma_start3A_578] : memref<4x128xi32, #tpu.memory_space<vmem>> -> memref<1x128xi32, #tpu.memory_space<vmem>>
        %dma_start3A_580 = tpu.memref_squeeze %dma_start3A_579 : memref<1x128xi32, #tpu.memory_space<vmem>> -> memref<128xi32, #tpu.memory_space<vmem>>
        %dma_start3A_581 = arith.constant 0 : i32
        %dma_start3A_582 = arith.constant 0 : i32
        %dma_start3A_583 = tpu.memref_slice %arg4[%add3A, %dma_start3A_581, %dma_start3A_582] : memref<32x80x128xi32, #tpu.memory_space<hbm>> -> memref<1x80x128xi32, #tpu.memory_space<hbm>>
        %dma_start3A_584 = tpu.memref_squeeze %dma_start3A_583 : memref<1x80x128xi32, #tpu.memory_space<hbm>> -> memref<80x128xi32, #tpu.memory_space<hbm>>
        %dma_start3A_585 = arith.constant 0 : i32
        %dma_start3A_586 = tpu.memref_slice %dma_start3A_584[%add3A_555, %dma_start3A_585] : memref<80x128xi32, #tpu.memory_space<hbm>> -> memref<1x128xi32, #tpu.memory_space<hbm>>
        %dma_start3A_587 = tpu.memref_squeeze %dma_start3A_586 : memref<1x128xi32, #tpu.memory_space<hbm>> -> memref<128xi32, #tpu.memory_space<hbm>>
        %dma_start3A_588 = arith.constant 0 : i32
        %dma_start3A_589 = tpu.memref_slice %arg10[%dma_start3A_577, %dma_start3A_588] : memref<4x128xi32, #tpu.memory_space<vmem>> -> memref<1x128xi32, #tpu.memory_space<vmem>>
        %dma_start3A_590 = tpu.memref_squeeze %dma_start3A_589 : memref<1x128xi32, #tpu.memory_space<vmem>> -> memref<128xi32, #tpu.memory_space<vmem>>
        %dma_start3A_591 = arith.constant 0 : i32
        %dma_start3A_592 = arith.constant 0 : i32
        %dma_start3A_593 = tpu.memref_slice %arg4[%add3A, %dma_start3A_591, %dma_start3A_592] : memref<32x80x128xi32, #tpu.memory_space<hbm>> -> memref<1x80x128xi32, #tpu.memory_space<hbm>>
        %dma_start3A_594 = tpu.memref_squeeze %dma_start3A_593 : memref<1x80x128xi32, #tpu.memory_space<hbm>> -> memref<80x128xi32, #tpu.memory_space<hbm>>
        %dma_start3A_595 = arith.constant 0 : i32
        %dma_start3A_596 = tpu.memref_slice %dma_start3A_594[%add3A_555, %dma_start3A_595] : memref<80x128xi32, #tpu.memory_space<hbm>> -> memref<1x128xi32, #tpu.memory_space<hbm>>
        %dma_start3A_597 = tpu.memref_squeeze %dma_start3A_596 : memref<1x128xi32, #tpu.memory_space<hbm>> -> memref<128xi32, #tpu.memory_space<hbm>>
        tpu.enqueue_dma source(%dma_start3A_597 : memref<128xi32, #tpu.memory_space<hbm>>) target(%dma_start3A_590 : memref<128xi32, #tpu.memory_space<vmem>>) target_semaphore(%arg18 : memref<!tpu.dma_semaphore, #tpu.memory_space<semaphore_mem>>)
      } else {
      }
      %add3A_483 = arith.constant 2 : i32
      %add3A_484 = arith.addi %add3A_429, %add3A_483 : i32
      %lt3A_485 = arith.constant 80 : i32
      %lt3A_486 = arith.cmpi slt, %add3A_484, %lt3A_485 : i32
      %convert_element_type3A_487 = arith.extui %lt3A_486 : i1 to i32
      %cond3A_488 = arith.constant 0 : i32
      %cond3A_489 = arith.cmpi ne, %convert_element_type3A_487, %cond3A_488 : i32
      scf.if %cond3A_489 {
        %add3A_554 = arith.constant 2 : i32
        %add3A_555 = arith.addi %add3A_429, %add3A_554 : i32
        %dma_wait3A_556 = arith.constant 0 : i32
        %dma_wait3A_557 = arith.constant 0 : i32
        %dma_wait3A_558 = tpu.memref_slice %arg9[%dma_wait3A_556, %dma_wait3A_557] : memref<4x128xi32, #tpu.memory_space<vmem>> -> memref<1x128xi32, #tpu.memory_space<vmem>>
        %dma_wait3A_559 = tpu.memref_squeeze %dma_wait3A_558 : memref<1x128xi32, #tpu.memory_space<vmem>> -> memref<128xi32, #tpu.memory_space<vmem>>
        %dma_wait3A_560 = arith.constant 0 : i32
        %dma_wait3A_561 = arith.constant 0 : i32
        %dma_wait3A_562 = tpu.memref_slice %arg3[%add3A, %dma_wait3A_560, %dma_wait3A_561] : memref<32x80x128xi32, #tpu.memory_space<hbm>> -> memref<1x80x128xi32, #tpu.memory_space<hbm>>
        %dma_wait3A_563 = tpu.memref_squeeze %dma_wait3A_562 : memref<1x80x128xi32, #tpu.memory_space<hbm>> -> memref<80x128xi32, #tpu.memory_space<hbm>>
        %dma_wait3A_564 = arith.constant 0 : i32
        %dma_wait3A_565 = tpu.memref_slice %dma_wait3A_563[%add3A_555, %dma_wait3A_564] : memref<80x128xi32, #tpu.memory_space<hbm>> -> memref<1x128xi32, #tpu.memory_space<hbm>>
        %dma_wait3A_566 = tpu.memref_squeeze %dma_wait3A_565 : memref<1x128xi32, #tpu.memory_space<hbm>> -> memref<128xi32, #tpu.memory_space<hbm>>
        %dma_wait3A_567 = arith.constant 0 : i32
        %dma_wait3A_568 = tpu.memref_slice %arg9[%dma_wait3A_556, %dma_wait3A_567] : memref<4x128xi32, #tpu.memory_space<vmem>> -> memref<1x128xi32, #tpu.memory_space<vmem>>
        %dma_wait3A_569 = tpu.memref_squeeze %dma_wait3A_568 : memref<1x128xi32, #tpu.memory_space<vmem>> -> memref<128xi32, #tpu.memory_space<vmem>>
        %dma_wait3A_570 = arith.constant 0 : i32
        %dma_wait3A_571 = arith.constant 0 : i32
        %dma_wait3A_572 = tpu.memref_slice %arg3[%add3A, %dma_wait3A_570, %dma_wait3A_571] : memref<32x80x128xi32, #tpu.memory_space<hbm>> -> memref<1x80x128xi32, #tpu.memory_space<hbm>>
        %dma_wait3A_573 = tpu.memref_squeeze %dma_wait3A_572 : memref<1x80x128xi32, #tpu.memory_space<hbm>> -> memref<80x128xi32, #tpu.memory_space<hbm>>
        %dma_wait3A_574 = arith.constant 0 : i32
        %dma_wait3A_575 = tpu.memref_slice %dma_wait3A_573[%add3A_555, %dma_wait3A_574] : memref<80x128xi32, #tpu.memory_space<hbm>> -> memref<1x128xi32, #tpu.memory_space<hbm>>
        %dma_wait3A_576 = tpu.memref_squeeze %dma_wait3A_575 : memref<1x128xi32, #tpu.memory_space<hbm>> -> memref<128xi32, #tpu.memory_space<hbm>>
        tpu.wait_dma2 semaphore(%arg16 : memref<!tpu.dma_semaphore, #tpu.memory_space<semaphore_mem>>) src(%dma_wait3A_576 : memref<128xi32, #tpu.memory_space<hbm>>) dst(%dma_wait3A_569 : memref<128xi32, #tpu.memory_space<vmem>>)
        %dma_wait3A_577 = arith.constant 0 : i32
        %dma_wait3A_578 = arith.constant 0 : i32
        %dma_wait3A_579 = tpu.memref_slice %arg10[%dma_wait3A_577, %dma_wait3A_578] : memref<4x128xi32, #tpu.memory_space<vmem>> -> memref<1x128xi32, #tpu.memory_space<vmem>>
        %dma_wait3A_580 = tpu.memref_squeeze %dma_wait3A_579 : memref<1x128xi32, #tpu.memory_space<vmem>> -> memref<128xi32, #tpu.memory_space<vmem>>
        %dma_wait3A_581 = arith.constant 0 : i32
        %dma_wait3A_582 = arith.constant 0 : i32
        %dma_wait3A_583 = tpu.memref_slice %arg4[%add3A, %dma_wait3A_581, %dma_wait3A_582] : memref<32x80x128xi32, #tpu.memory_space<hbm>> -> memref<1x80x128xi32, #tpu.memory_space<hbm>>
        %dma_wait3A_584 = tpu.memref_squeeze %dma_wait3A_583 : memref<1x80x128xi32, #tpu.memory_space<hbm>> -> memref<80x128xi32, #tpu.memory_space<hbm>>
        %dma_wait3A_585 = arith.constant 0 : i32
        %dma_wait3A_586 = tpu.memref_slice %dma_wait3A_584[%add3A_555, %dma_wait3A_585] : memref<80x128xi32, #tpu.memory_space<hbm>> -> memref<1x128xi32, #tpu.memory_space<hbm>>
        %dma_wait3A_587 = tpu.memref_squeeze %dma_wait3A_586 : memref<1x128xi32, #tpu.memory_space<hbm>> -> memref<128xi32, #tpu.memory_space<hbm>>
        %dma_wait3A_588 = arith.constant 0 : i32
        %dma_wait3A_589 = tpu.memref_slice %arg10[%dma_wait3A_577, %dma_wait3A_588] : memref<4x128xi32, #tpu.memory_space<vmem>> -> memref<1x128xi32, #tpu.memory_space<vmem>>
        %dma_wait3A_590 = tpu.memref_squeeze %dma_wait3A_589 : memref<1x128xi32, #tpu.memory_space<vmem>> -> memref<128xi32, #tpu.memory_space<vmem>>
        %dma_wait3A_591 = arith.constant 0 : i32
        %dma_wait3A_592 = arith.constant 0 : i32
        %dma_wait3A_593 = tpu.memref_slice %arg4[%add3A, %dma_wait3A_591, %dma_wait3A_592] : memref<32x80x128xi32, #tpu.memory_space<hbm>> -> memref<1x80x128xi32, #tpu.memory_space<hbm>>
        %dma_wait3A_594 = tpu.memref_squeeze %dma_wait3A_593 : memref<1x80x128xi32, #tpu.memory_space<hbm>> -> memref<80x128xi32, #tpu.memory_space<hbm>>
        %dma_wait3A_595 = arith.constant 0 : i32
        %dma_wait3A_596 = tpu.memref_slice %dma_wait3A_594[%add3A_555, %dma_wait3A_595] : memref<80x128xi32, #tpu.memory_space<hbm>> -> memref<1x128xi32, #tpu.memory_space<hbm>>
        %dma_wait3A_597 = tpu.memref_squeeze %dma_wait3A_596 : memref<1x128xi32, #tpu.memory_space<hbm>> -> memref<128xi32, #tpu.memory_space<hbm>>
        tpu.wait_dma2 semaphore(%arg16 : memref<!tpu.dma_semaphore, #tpu.memory_space<semaphore_mem>>) src(%dma_wait3A_597 : memref<128xi32, #tpu.memory_space<hbm>>) dst(%dma_wait3A_590 : memref<128xi32, #tpu.memory_space<vmem>>)
        %dma_start3A_598 = arith.constant 0 : i32
        %dma_start3A_599 = arith.constant 0 : i32
        %dma_start3A_600 = arith.constant 0 : i32
        %dma_start3A_601 = arith.constant 0 : i32
        %dma_start3A_602 = tpu.memref_slice %arg11[%dma_start3A_599, %dma_start3A_600, %dma_start3A_601] : memref<2x128x128xf32, #tpu.memory_space<vmem>> -> memref<1x128x128xf32, #tpu.memory_space<vmem>>
        %dma_start3A_603 = tpu.memref_squeeze %dma_start3A_602 : memref<1x128x128xf32, #tpu.memory_space<vmem>> -> memref<128x128xf32, #tpu.memory_space<vmem>>
        %dma_start3A_604 = arith.constant 0 : i32
        %dma_start3A_605 = tpu.memref_slice %arg9[%dma_start3A_598, %dma_start3A_604] : memref<4x128xi32, #tpu.memory_space<vmem>> -> memref<1x128xi32, #tpu.memory_space<vmem>>
        %dma_start3A_606 = tpu.memref_squeeze %dma_start3A_605 : memref<1x128xi32, #tpu.memory_space<vmem>> -> memref<128xi32, #tpu.memory_space<vmem>>
        %dma_start3A_607 = arith.constant 0 : i32
        %dma_start3A_608 = arith.constant 0 : i32
        %dma_start3A_609 = tpu.memref_slice %arg2[%dma_start3A_607, %dma_start3A_608] : memref<10112x128xf32, #tpu.memory_space<hbm>> -> memref<10112x128xf32, #tpu.memory_space<hbm>>
        tpu.enqueue_indirect_dma source(%dma_start3A_609 : memref<10112x128xf32, #tpu.memory_space<hbm>>) target(%dma_start3A_603 : memref<128x128xf32, #tpu.memory_space<vmem>>) offsets(%dma_start3A_606 : memref<128xi32, #tpu.memory_space<vmem>>) semaphore(%arg14 : memref<!tpu.dma_semaphore, #tpu.memory_space<semaphore_mem>>)
      } else {
      }
      %mul3A_490 = arith.constant 4 : i32
      %mul3A_491 = arith.muli %scan3A_302, %mul3A_490 : i32
      %add3A_492 = arith.constant 3 : i32
      %add3A_493 = arith.addi %mul3A_491, %add3A_492 : i32
      %get3A_494 = arith.constant 3 : i32
      %get3A_495 = arith.index_cast %get3A_494 : i32 to index
      %get3A_496 = arith.constant 0 : index
      %get3A_497 = tpu.vector_load %arg10[%get3A_495, %get3A_496] {strides = array<i32>} : memref<4x128xi32, #tpu.memory_space<vmem>>, vector<16xi32>,
      tpu.vector_store_idx %arg12[%get3A_497], %broadcast_in_dim3A_5 {add = true} : memref<10112xf32, #tpu.memory_space<vmem>>[vector<16xi32>], vector<16xf32>,
      %get3A_498 = arith.constant 3 : i32
      %get3A_499 = arith.index_cast %get3A_498 : i32 to index
      %get3A_500 = arith.constant 16 : index
      %get3A_501 = tpu.vector_load %arg10[%get3A_499, %get3A_500] {strides = array<i32>} : memref<4x128xi32, #tpu.memory_space<vmem>>, vector<16xi32>,
      tpu.vector_store_idx %arg12[%get3A_501], %broadcast_in_dim3A_5 {add = true} : memref<10112xf32, #tpu.memory_space<vmem>>[vector<16xi32>], vector<16xf32>,
      %get3A_502 = arith.constant 3 : i32
      %get3A_503 = arith.index_cast %get3A_502 : i32 to index
      %get3A_504 = arith.constant 32 : index
      %get3A_505 = tpu.vector_load %arg10[%get3A_503, %get3A_504] {strides = array<i32>} : memref<4x128xi32, #tpu.memory_space<vmem>>, vector<16xi32>,
      tpu.vector_store_idx %arg12[%get3A_505], %broadcast_in_dim3A_5 {add = true} : memref<10112xf32, #tpu.memory_space<vmem>>[vector<16xi32>], vector<16xf32>,
      %get3A_506 = arith.constant 3 : i32
      %get3A_507 = arith.index_cast %get3A_506 : i32 to index
      %get3A_508 = arith.constant 48 : index
      %get3A_509 = tpu.vector_load %arg10[%get3A_507, %get3A_508] {strides = array<i32>} : memref<4x128xi32, #tpu.memory_space<vmem>>, vector<16xi32>,
      tpu.vector_store_idx %arg12[%get3A_509], %broadcast_in_dim3A_5 {add = true} : memref<10112xf32, #tpu.memory_space<vmem>>[vector<16xi32>], vector<16xf32>,
      %get3A_510 = arith.constant 3 : i32
      %get3A_511 = arith.index_cast %get3A_510 : i32 to index
      %get3A_512 = arith.constant 64 : index
      %get3A_513 = tpu.vector_load %arg10[%get3A_511, %get3A_512] {strides = array<i32>} : memref<4x128xi32, #tpu.memory_space<vmem>>, vector<16xi32>,
      tpu.vector_store_idx %arg12[%get3A_513], %broadcast_in_dim3A_5 {add = true} : memref<10112xf32, #tpu.memory_space<vmem>>[vector<16xi32>], vector<16xf32>,
      %get3A_514 = arith.constant 3 : i32
      %get3A_515 = arith.index_cast %get3A_514 : i32 to index
      %get3A_516 = arith.constant 80 : index
      %get3A_517 = tpu.vector_load %arg10[%get3A_515, %get3A_516] {strides = array<i32>} : memref<4x128xi32, #tpu.memory_space<vmem>>, vector<16xi32>,
      tpu.vector_store_idx %arg12[%get3A_517], %broadcast_in_dim3A_5 {add = true} : memref<10112xf32, #tpu.memory_space<vmem>>[vector<16xi32>], vector<16xf32>,
      %get3A_518 = arith.constant 3 : i32
      %get3A_519 = arith.index_cast %get3A_518 : i32 to index
      %get3A_520 = arith.constant 96 : index
      %get3A_521 = tpu.vector_load %arg10[%get3A_519, %get3A_520] {strides = array<i32>} : memref<4x128xi32, #tpu.memory_space<vmem>>, vector<16xi32>,
      tpu.vector_store_idx %arg12[%get3A_521], %broadcast_in_dim3A_5 {add = true} : memref<10112xf32, #tpu.memory_space<vmem>>[vector<16xi32>], vector<16xf32>,
      %get3A_522 = arith.constant 3 : i32
      %get3A_523 = arith.index_cast %get3A_522 : i32 to index
      %get3A_524 = arith.constant 112 : index
      %get3A_525 = tpu.vector_load %arg10[%get3A_523, %get3A_524] {strides = array<i32>} : memref<4x128xi32, #tpu.memory_space<vmem>>, vector<16xi32>,
      tpu.vector_store_idx %arg12[%get3A_525], %broadcast_in_dim3A_5 {add = true} : memref<10112xf32, #tpu.memory_space<vmem>>[vector<16xi32>], vector<16xf32>,
      %dma_wait3A_526 = arith.constant 3 : i32
      %dma_wait3A_527 = arith.constant 1 : i32
      %dma_wait3A_528 = arith.constant 0 : i32
      %dma_wait3A_529 = arith.constant 0 : i32
      %dma_wait3A_530 = tpu.memref_slice %arg11[%dma_wait3A_527, %dma_wait3A_528, %dma_wait3A_529] : memref<2x128x128xf32, #tpu.memory_space<vmem>> -> memref<1x128x128xf32, #tpu.memory_space<vmem>>
      %dma_wait3A_531 = tpu.memref_squeeze %dma_wait3A_530 : memref<1x128x128xf32, #tpu.memory_space<vmem>> -> memref<128x128xf32, #tpu.memory_space<vmem>>
      %dma_wait3A_532 = arith.constant 0 : i32
      %dma_wait3A_533 = tpu.memref_slice %arg9[%dma_wait3A_526, %dma_wait3A_532] : memref<4x128xi32, #tpu.memory_space<vmem>> -> memref<1x128xi32, #tpu.memory_space<vmem>>
      %dma_wait3A_534 = tpu.memref_squeeze %dma_wait3A_533 : memref<1x128xi32, #tpu.memory_space<vmem>> -> memref<128xi32, #tpu.memory_space<vmem>>
      %dma_wait3A_535 = arith.constant 0 : i32
      %dma_wait3A_536 = arith.constant 0 : i32
      %dma_wait3A_537 = tpu.memref_slice %arg2[%dma_wait3A_535, %dma_wait3A_536] : memref<10112x128xf32, #tpu.memory_space<hbm>> -> memref<10112x128xf32, #tpu.memory_space<hbm>>
      tpu.wait_indirect_dma semaphore(%arg15 : memref<!tpu.dma_semaphore, #tpu.memory_space<semaphore_mem>>) src(%dma_wait3A_537 : memref<10112x128xf32, #tpu.memory_space<hbm>>) dst(%dma_wait3A_531 : memref<128x128xf32, #tpu.memory_space<vmem>>)
      %run_scoped3A_538 = arith.constant 1 : i32
      %run_scoped3A_539 = arith.constant 3 : i32
      "tpu.region"() ({
        %run_scoped3A_554 = tpu.sem_alloc : memref<!tpu.dma_semaphore, #tpu.memory_space<semaphore_mem>>
        %dma_start3A_555 = arith.constant 0 : i32
        %dma_start3A_556 = arith.constant 0 : i32
        %dma_start3A_557 = tpu.memref_slice %arg11[%run_scoped3A_538, %dma_start3A_555, %dma_start3A_556] : memref<2x128x128xf32, #tpu.memory_space<vmem>> -> memref<1x128x128xf32, #tpu.memory_space<vmem>>
        %dma_start3A_558 = tpu.memref_squeeze %dma_start3A_557 : memref<1x128x128xf32, #tpu.memory_space<vmem>> -> memref<128x128xf32, #tpu.memory_space<vmem>>
        %dma_start3A_559 = arith.constant 0 : i32
        %dma_start3A_560 = tpu.memref_slice %arg10[%run_scoped3A_539, %dma_start3A_559] : memref<4x128xi32, #tpu.memory_space<vmem>> -> memref<1x128xi32, #tpu.memory_space<vmem>>
        %dma_start3A_561 = tpu.memref_squeeze %dma_start3A_560 : memref<1x128xi32, #tpu.memory_space<vmem>> -> memref<128xi32, #tpu.memory_space<vmem>>
        %dma_start3A_562 = arith.constant 0 : i32
        %dma_start3A_563 = arith.constant 0 : i32
        %dma_start3A_564 = tpu.memref_slice %arg13[%dma_start3A_562, %dma_start3A_563] : memref<10112x128xf32, #tpu.memory_space<vmem_shared>> -> memref<10112x128xf32, #tpu.memory_space<vmem_shared>>
        tpu.enqueue_indirect_dma source(%dma_start3A_558 : memref<128x128xf32, #tpu.memory_space<vmem>>) target(%dma_start3A_564 : memref<10112x128xf32, #tpu.memory_space<vmem_shared>>) offsets(%dma_start3A_561 : memref<128xi32, #tpu.memory_space<vmem>>) semaphore(%run_scoped3A_554 : memref<!tpu.dma_semaphore, #tpu.memory_space<semaphore_mem>>) {add = true}
        %dma_wait3A_565 = arith.constant 0 : i32
        %dma_wait3A_566 = arith.constant 0 : i32
        %dma_wait3A_567 = tpu.memref_slice %arg11[%run_scoped3A_538, %dma_wait3A_565, %dma_wait3A_566] : memref<2x128x128xf32, #tpu.memory_space<vmem>> -> memref<1x128x128xf32, #tpu.memory_space<vmem>>
        %dma_wait3A_568 = tpu.memref_squeeze %dma_wait3A_567 : memref<1x128x128xf32, #tpu.memory_space<vmem>> -> memref<128x128xf32, #tpu.memory_space<vmem>>
        %dma_wait3A_569 = arith.constant 0 : i32
        %dma_wait3A_570 = tpu.memref_slice %arg10[%run_scoped3A_539, %dma_wait3A_569] : memref<4x128xi32, #tpu.memory_space<vmem>> -> memref<1x128xi32, #tpu.memory_space<vmem>>
        %dma_wait3A_571 = tpu.memref_squeeze %dma_wait3A_570 : memref<1x128xi32, #tpu.memory_space<vmem>> -> memref<128xi32, #tpu.memory_space<vmem>>
        %dma_wait3A_572 = arith.constant 0 : i32
        %dma_wait3A_573 = arith.constant 0 : i32
        %dma_wait3A_574 = tpu.memref_slice %arg13[%dma_wait3A_572, %dma_wait3A_573] : memref<10112x128xf32, #tpu.memory_space<vmem_shared>> -> memref<10112x128xf32, #tpu.memory_space<vmem_shared>>
        tpu.wait_indirect_dma semaphore(%run_scoped3A_554 : memref<!tpu.dma_semaphore, #tpu.memory_space<semaphore_mem>>) src(%dma_wait3A_568 : memref<128x128xf32, #tpu.memory_space<vmem>>) dst(%dma_wait3A_574 : memref<10112x128xf32, #tpu.memory_space<vmem_shared>>)
        tpu.yield
      }) : () -> ()
      %add3A_540 = arith.constant 4 : i32
      %add3A_541 = arith.addi %add3A_493, %add3A_540 : i32
      %lt3A_542 = arith.constant 80 : i32
      %lt3A_543 = arith.cmpi slt, %add3A_541, %lt3A_542 : i32
      %convert_element_type3A_544 = arith.extui %lt3A_543 : i1 to i32
      %cond3A_545 = arith.constant 0 : i32
      %cond3A_546 = arith.cmpi ne, %convert_element_type3A_544, %cond3A_545 : i32
      scf.if %cond3A_546 {
        %add3A_554 = arith.constant 4 : i32
        %add3A_555 = arith.addi %add3A_493, %add3A_554 : i32
        %dma_start3A_556 = arith.constant 3 : i32
        %dma_start3A_557 = arith.constant 0 : i32
        %dma_start3A_558 = tpu.memref_slice %arg9[%dma_start3A_556, %dma_start3A_557] : memref<4x128xi32, #tpu.memory_space<vmem>> -> memref<1x128xi32, #tpu.memory_space<vmem>>
        %dma_start3A_559 = tpu.memref_squeeze %dma_start3A_558 : memref<1x128xi32, #tpu.memory_space<vmem>> -> memref<128xi32, #tpu.memory_space<vmem>>
        %dma_start3A_560 = arith.constant 0 : i32
        %dma_start3A_561 = arith.constant 0 : i32
        %dma_start3A_562 = tpu.memref_slice %arg3[%add3A, %dma_start3A_560, %dma_start3A_561] : memref<32x80x128xi32, #tpu.memory_space<hbm>> -> memref<1x80x128xi32, #tpu.memory_space<hbm>>
        %dma_start3A_563 = tpu.memref_squeeze %dma_start3A_562 : memref<1x80x128xi32, #tpu.memory_space<hbm>> -> memref<80x128xi32, #tpu.memory_space<hbm>>
        %dma_start3A_564 = arith.constant 0 : i32
        %dma_start3A_565 = tpu.memref_slice %dma_start3A_563[%add3A_555, %dma_start3A_564] : memref<80x128xi32, #tpu.memory_space<hbm>> -> memref<1x128xi32, #tpu.memory_space<hbm>>
        %dma_start3A_566 = tpu.memref_squeeze %dma_start3A_565 : memref<1x128xi32, #tpu.memory_space<hbm>> -> memref<128xi32, #tpu.memory_space<hbm>>
        %dma_start3A_567 = arith.constant 0 : i32
        %dma_start3A_568 = tpu.memref_slice %arg9[%dma_start3A_556, %dma_start3A_567] : memref<4x128xi32, #tpu.memory_space<vmem>> -> memref<1x128xi32, #tpu.memory_space<vmem>>
        %dma_start3A_569 = tpu.memref_squeeze %dma_start3A_568 : memref<1x128xi32, #tpu.memory_space<vmem>> -> memref<128xi32, #tpu.memory_space<vmem>>
        %dma_start3A_570 = arith.constant 0 : i32
        %dma_start3A_571 = arith.constant 0 : i32
        %dma_start3A_572 = tpu.memref_slice %arg3[%add3A, %dma_start3A_570, %dma_start3A_571] : memref<32x80x128xi32, #tpu.memory_space<hbm>> -> memref<1x80x128xi32, #tpu.memory_space<hbm>>
        %dma_start3A_573 = tpu.memref_squeeze %dma_start3A_572 : memref<1x80x128xi32, #tpu.memory_space<hbm>> -> memref<80x128xi32, #tpu.memory_space<hbm>>
        %dma_start3A_574 = arith.constant 0 : i32
        %dma_start3A_575 = tpu.memref_slice %dma_start3A_573[%add3A_555, %dma_start3A_574] : memref<80x128xi32, #tpu.memory_space<hbm>> -> memref<1x128xi32, #tpu.memory_space<hbm>>
        %dma_start3A_576 = tpu.memref_squeeze %dma_start3A_575 : memref<1x128xi32, #tpu.memory_space<hbm>> -> memref<128xi32, #tpu.memory_space<hbm>>
        tpu.enqueue_dma source(%dma_start3A_576 : memref<128xi32, #tpu.memory_space<hbm>>) target(%dma_start3A_569 : memref<128xi32, #tpu.memory_space<vmem>>) target_semaphore(%arg19 : memref<!tpu.dma_semaphore, #tpu.memory_space<semaphore_mem>>)
        %dma_start3A_577 = arith.constant 3 : i32
        %dma_start3A_578 = arith.constant 0 : i32
        %dma_start3A_579 = tpu.memref_slice %arg10[%dma_start3A_577, %dma_start3A_578] : memref<4x128xi32, #tpu.memory_space<vmem>> -> memref<1x128xi32, #tpu.memory_space<vmem>>
        %dma_start3A_580 = tpu.memref_squeeze %dma_start3A_579 : memref<1x128xi32, #tpu.memory_space<vmem>> -> memref<128xi32, #tpu.memory_space<vmem>>
        %dma_start3A_581 = arith.constant 0 : i32
        %dma_start3A_582 = arith.constant 0 : i32
        %dma_start3A_583 = tpu.memref_slice %arg4[%add3A, %dma_start3A_581, %dma_start3A_582] : memref<32x80x128xi32, #tpu.memory_space<hbm>> -> memref<1x80x128xi32, #tpu.memory_space<hbm>>
        %dma_start3A_584 = tpu.memref_squeeze %dma_start3A_583 : memref<1x80x128xi32, #tpu.memory_space<hbm>> -> memref<80x128xi32, #tpu.memory_space<hbm>>
        %dma_start3A_585 = arith.constant 0 : i32
        %dma_start3A_586 = tpu.memref_slice %dma_start3A_584[%add3A_555, %dma_start3A_585] : memref<80x128xi32, #tpu.memory_space<hbm>> -> memref<1x128xi32, #tpu.memory_space<hbm>>
        %dma_start3A_587 = tpu.memref_squeeze %dma_start3A_586 : memref<1x128xi32, #tpu.memory_space<hbm>> -> memref<128xi32, #tpu.memory_space<hbm>>
        %dma_start3A_588 = arith.constant 0 : i32
        %dma_start3A_589 = tpu.memref_slice %arg10[%dma_start3A_577, %dma_start3A_588] : memref<4x128xi32, #tpu.memory_space<vmem>> -> memref<1x128xi32, #tpu.memory_space<vmem>>
        %dma_start3A_590 = tpu.memref_squeeze %dma_start3A_589 : memref<1x128xi32, #tpu.memory_space<vmem>> -> memref<128xi32, #tpu.memory_space<vmem>>
        %dma_start3A_591 = arith.constant 0 : i32
        %dma_start3A_592 = arith.constant 0 : i32
        %dma_start3A_593 = tpu.memref_slice %arg4[%add3A, %dma_start3A_591, %dma_start3A_592] : memref<32x80x128xi32, #tpu.memory_space<hbm>> -> memref<1x80x128xi32, #tpu.memory_space<hbm>>
        %dma_start3A_594 = tpu.memref_squeeze %dma_start3A_593 : memref<1x80x128xi32, #tpu.memory_space<hbm>> -> memref<80x128xi32, #tpu.memory_space<hbm>>
        %dma_start3A_595 = arith.constant 0 : i32
        %dma_start3A_596 = tpu.memref_slice %dma_start3A_594[%add3A_555, %dma_start3A_595] : memref<80x128xi32, #tpu.memory_space<hbm>> -> memref<1x128xi32, #tpu.memory_space<hbm>>
        %dma_start3A_597 = tpu.memref_squeeze %dma_start3A_596 : memref<1x128xi32, #tpu.memory_space<hbm>> -> memref<128xi32, #tpu.memory_space<hbm>>
        tpu.enqueue_dma source(%dma_start3A_597 : memref<128xi32, #tpu.memory_space<hbm>>) target(%dma_start3A_590 : memref<128xi32, #tpu.memory_space<vmem>>) target_semaphore(%arg19 : memref<!tpu.dma_semaphore, #tpu.memory_space<semaphore_mem>>)
      } else {
      }
      %add3A_547 = arith.constant 2 : i32
      %add3A_548 = arith.addi %add3A_493, %add3A_547 : i32
      %lt3A_549 = arith.constant 80 : i32
      %lt3A_550 = arith.cmpi slt, %add3A_548, %lt3A_549 : i32
      %convert_element_type3A_551 = arith.extui %lt3A_550 : i1 to i32
      %cond3A_552 = arith.constant 0 : i32
      %cond3A_553 = arith.cmpi ne, %convert_element_type3A_551, %cond3A_552 : i32
      scf.if %cond3A_553 {
        %add3A_554 = arith.constant 2 : i32
        %add3A_555 = arith.addi %add3A_493, %add3A_554 : i32
        %dma_wait3A_556 = arith.constant 1 : i32
        %dma_wait3A_557 = arith.constant 0 : i32
        %dma_wait3A_558 = tpu.memref_slice %arg9[%dma_wait3A_556, %dma_wait3A_557] : memref<4x128xi32, #tpu.memory_space<vmem>> -> memref<1x128xi32, #tpu.memory_space<vmem>>
        %dma_wait3A_559 = tpu.memref_squeeze %dma_wait3A_558 : memref<1x128xi32, #tpu.memory_space<vmem>> -> memref<128xi32, #tpu.memory_space<vmem>>
        %dma_wait3A_560 = arith.constant 0 : i32
        %dma_wait3A_561 = arith.constant 0 : i32
        %dma_wait3A_562 = tpu.memref_slice %arg3[%add3A, %dma_wait3A_560, %dma_wait3A_561] : memref<32x80x128xi32, #tpu.memory_space<hbm>> -> memref<1x80x128xi32, #tpu.memory_space<hbm>>
        %dma_wait3A_563 = tpu.memref_squeeze %dma_wait3A_562 : memref<1x80x128xi32, #tpu.memory_space<hbm>> -> memref<80x128xi32, #tpu.memory_space<hbm>>
        %dma_wait3A_564 = arith.constant 0 : i32
        %dma_wait3A_565 = tpu.memref_slice %dma_wait3A_563[%add3A_555, %dma_wait3A_564] : memref<80x128xi32, #tpu.memory_space<hbm>> -> memref<1x128xi32, #tpu.memory_space<hbm>>
        %dma_wait3A_566 = tpu.memref_squeeze %dma_wait3A_565 : memref<1x128xi32, #tpu.memory_space<hbm>> -> memref<128xi32, #tpu.memory_space<hbm>>
        %dma_wait3A_567 = arith.constant 0 : i32
        %dma_wait3A_568 = tpu.memref_slice %arg9[%dma_wait3A_556, %dma_wait3A_567] : memref<4x128xi32, #tpu.memory_space<vmem>> -> memref<1x128xi32, #tpu.memory_space<vmem>>
        %dma_wait3A_569 = tpu.memref_squeeze %dma_wait3A_568 : memref<1x128xi32, #tpu.memory_space<vmem>> -> memref<128xi32, #tpu.memory_space<vmem>>
        %dma_wait3A_570 = arith.constant 0 : i32
        %dma_wait3A_571 = arith.constant 0 : i32
        %dma_wait3A_572 = tpu.memref_slice %arg3[%add3A, %dma_wait3A_570, %dma_wait3A_571] : memref<32x80x128xi32, #tpu.memory_space<hbm>> -> memref<1x80x128xi32, #tpu.memory_space<hbm>>
        %dma_wait3A_573 = tpu.memref_squeeze %dma_wait3A_572 : memref<1x80x128xi32, #tpu.memory_space<hbm>> -> memref<80x128xi32, #tpu.memory_space<hbm>>
        %dma_wait3A_574 = arith.constant 0 : i32
        %dma_wait3A_575 = tpu.memref_slice %dma_wait3A_573[%add3A_555, %dma_wait3A_574] : memref<80x128xi32, #tpu.memory_space<hbm>> -> memref<1x128xi32, #tpu.memory_space<hbm>>
        %dma_wait3A_576 = tpu.memref_squeeze %dma_wait3A_575 : memref<1x128xi32, #tpu.memory_space<hbm>> -> memref<128xi32, #tpu.memory_space<hbm>>
        tpu.wait_dma2 semaphore(%arg17 : memref<!tpu.dma_semaphore, #tpu.memory_space<semaphore_mem>>) src(%dma_wait3A_576 : memref<128xi32, #tpu.memory_space<hbm>>) dst(%dma_wait3A_569 : memref<128xi32, #tpu.memory_space<vmem>>)
        %dma_wait3A_577 = arith.constant 1 : i32
        %dma_wait3A_578 = arith.constant 0 : i32
        %dma_wait3A_579 = tpu.memref_slice %arg10[%dma_wait3A_577, %dma_wait3A_578] : memref<4x128xi32, #tpu.memory_space<vmem>> -> memref<1x128xi32, #tpu.memory_space<vmem>>
        %dma_wait3A_580 = tpu.memref_squeeze %dma_wait3A_579 : memref<1x128xi32, #tpu.memory_space<vmem>> -> memref<128xi32, #tpu.memory_space<vmem>>
        %dma_wait3A_581 = arith.constant 0 : i32
        %dma_wait3A_582 = arith.constant 0 : i32
        %dma_wait3A_583 = tpu.memref_slice %arg4[%add3A, %dma_wait3A_581, %dma_wait3A_582] : memref<32x80x128xi32, #tpu.memory_space<hbm>> -> memref<1x80x128xi32, #tpu.memory_space<hbm>>
        %dma_wait3A_584 = tpu.memref_squeeze %dma_wait3A_583 : memref<1x80x128xi32, #tpu.memory_space<hbm>> -> memref<80x128xi32, #tpu.memory_space<hbm>>
        %dma_wait3A_585 = arith.constant 0 : i32
        %dma_wait3A_586 = tpu.memref_slice %dma_wait3A_584[%add3A_555, %dma_wait3A_585] : memref<80x128xi32, #tpu.memory_space<hbm>> -> memref<1x128xi32, #tpu.memory_space<hbm>>
        %dma_wait3A_587 = tpu.memref_squeeze %dma_wait3A_586 : memref<1x128xi32, #tpu.memory_space<hbm>> -> memref<128xi32, #tpu.memory_space<hbm>>
        %dma_wait3A_588 = arith.constant 0 : i32
        %dma_wait3A_589 = tpu.memref_slice %arg10[%dma_wait3A_577, %dma_wait3A_588] : memref<4x128xi32, #tpu.memory_space<vmem>> -> memref<1x128xi32, #tpu.memory_space<vmem>>
        %dma_wait3A_590 = tpu.memref_squeeze %dma_wait3A_589 : memref<1x128xi32, #tpu.memory_space<vmem>> -> memref<128xi32, #tpu.memory_space<vmem>>
        %dma_wait3A_591 = arith.constant 0 : i32
        %dma_wait3A_592 = arith.constant 0 : i32
        %dma_wait3A_593 = tpu.memref_slice %arg4[%add3A, %dma_wait3A_591, %dma_wait3A_592] : memref<32x80x128xi32, #tpu.memory_space<hbm>> -> memref<1x80x128xi32, #tpu.memory_space<hbm>>
        %dma_wait3A_594 = tpu.memref_squeeze %dma_wait3A_593 : memref<1x80x128xi32, #tpu.memory_space<hbm>> -> memref<80x128xi32, #tpu.memory_space<hbm>>
        %dma_wait3A_595 = arith.constant 0 : i32
        %dma_wait3A_596 = tpu.memref_slice %dma_wait3A_594[%add3A_555, %dma_wait3A_595] : memref<80x128xi32, #tpu.memory_space<hbm>> -> memref<1x128xi32, #tpu.memory_space<hbm>>
        %dma_wait3A_597 = tpu.memref_squeeze %dma_wait3A_596 : memref<1x128xi32, #tpu.memory_space<hbm>> -> memref<128xi32, #tpu.memory_space<hbm>>
        tpu.wait_dma2 semaphore(%arg17 : memref<!tpu.dma_semaphore, #tpu.memory_space<semaphore_mem>>) src(%dma_wait3A_597 : memref<128xi32, #tpu.memory_space<hbm>>) dst(%dma_wait3A_590 : memref<128xi32, #tpu.memory_space<vmem>>)
        %dma_start3A_598 = arith.constant 1 : i32
        %dma_start3A_599 = arith.constant 1 : i32
        %dma_start3A_600 = arith.constant 0 : i32
        %dma_start3A_601 = arith.constant 0 : i32
        %dma_start3A_602 = tpu.memref_slice %arg11[%dma_start3A_599, %dma_start3A_600, %dma_start3A_601] : memref<2x128x128xf32, #tpu.memory_space<vmem>> -> memref<1x128x128xf32, #tpu.memory_space<vmem>>
        %dma_start3A_603 = tpu.memref_squeeze %dma_start3A_602 : memref<1x128x128xf32, #tpu.memory_space<vmem>> -> memref<128x128xf32, #tpu.memory_space<vmem>>
        %dma_start3A_604 = arith.constant 0 : i32
        %dma_start3A_605 = tpu.memref_slice %arg9[%dma_start3A_598, %dma_start3A_604] : memref<4x128xi32, #tpu.memory_space<vmem>> -> memref<1x128xi32, #tpu.memory_space<vmem>>
        %dma_start3A_606 = tpu.memref_squeeze %dma_start3A_605 : memref<1x128xi32, #tpu.memory_space<vmem>> -> memref<128xi32, #tpu.memory_space<vmem>>
        %dma_start3A_607 = arith.constant 0 : i32
        %dma_start3A_608 = arith.constant 0 : i32
        %dma_start3A_609 = tpu.memref_slice %arg2[%dma_start3A_607, %dma_start3A_608] : memref<10112x128xf32, #tpu.memory_space<hbm>> -> memref<10112x128xf32, #tpu.memory_space<hbm>>
        tpu.enqueue_indirect_dma source(%dma_start3A_609 : memref<10112x128xf32, #tpu.memory_space<hbm>>) target(%dma_start3A_603 : memref<128x128xf32, #tpu.memory_space<vmem>>) offsets(%dma_start3A_606 : memref<128xi32, #tpu.memory_space<vmem>>) semaphore(%arg15 : memref<!tpu.dma_semaphore, #tpu.memory_space<semaphore_mem>>)
      } else {
      }
    }
    %scan3A_296 = arith.constant 20 : i32
    %barrier3A_297 = arith.constant 0 : index
    tpu.barrier barrier_id(%barrier3A_297)
    %mul3A_298 = arith.constant 632 : i32
    %mul3A_299 = arith.muli %arg1, %mul3A_298 : i32
    %mul3A_300 = arith.constant 632 : i32
    %mul3A_301 = arith.muli %arg1, %mul3A_300 : i32
    "tpu.region"() ({
      %run_scoped3A = tpu.sem_alloc : memref<!tpu.dma_semaphore, #tpu.memory_space<semaphore_mem>>
      %dma_start3A_302 = arith.constant 0 : i32
      %dma_start3A_303 = arith.constant 0 : i32
      %dma_start3A_304 = tpu.memref_slice %arg7[%arg0, %dma_start3A_302, %dma_start3A_303] : memref<2x10112x128xf32, #tpu.memory_space<hbm>> -> memref<1x10112x128xf32, #tpu.memory_space<hbm>>
      %dma_start3A_305 = tpu.memref_squeeze %dma_start3A_304 : memref<1x10112x128xf32, #tpu.memory_space<hbm>> -> memref<10112x128xf32, #tpu.memory_space<hbm>>
      %dma_start3A_306 = arith.constant 0 : i32
      %dma_start3A_307 = tpu.memref_slice %dma_start3A_305[%mul3A_301, %dma_start3A_306] : memref<10112x128xf32, #tpu.memory_space<hbm>> -> memref<632x128xf32, #tpu.memory_space<hbm>>
      %dma_start3A_308 = arith.constant 0 : i32
      %dma_start3A_309 = tpu.memref_slice %arg13[%mul3A_299, %dma_start3A_308] : memref<10112x128xf32, #tpu.memory_space<vmem_shared>> -> memref<632x128xf32, #tpu.memory_space<vmem_shared>>
      tpu.enqueue_dma source(%dma_start3A_309 : memref<632x128xf32, #tpu.memory_space<vmem_shared>>) target(%dma_start3A_307 : memref<632x128xf32, #tpu.memory_space<hbm>>) target_semaphore(%run_scoped3A : memref<!tpu.dma_semaphore, #tpu.memory_space<semaphore_mem>>)
      %dma_wait3A_310 = arith.constant 0 : i32
      %dma_wait3A_311 = arith.constant 0 : i32
      %dma_wait3A_312 = tpu.memref_slice %arg7[%arg0, %dma_wait3A_310, %dma_wait3A_311] : memref<2x10112x128xf32, #tpu.memory_space<hbm>> -> memref<1x10112x128xf32, #tpu.memory_space<hbm>>
      %dma_wait3A_313 = tpu.memref_squeeze %dma_wait3A_312 : memref<1x10112x128xf32, #tpu.memory_space<hbm>> -> memref<10112x128xf32, #tpu.memory_space<hbm>>
      %dma_wait3A_314 = arith.constant 0 : i32
      %dma_wait3A_315 = tpu.memref_slice %dma_wait3A_313[%mul3A_301, %dma_wait3A_314] : memref<10112x128xf32, #tpu.memory_space<hbm>> -> memref<632x128xf32, #tpu.memory_space<hbm>>
      %dma_wait3A_316 = arith.constant 0 : i32
      %dma_wait3A_317 = tpu.memref_slice %arg13[%mul3A_299, %dma_wait3A_316] : memref<10112x128xf32, #tpu.memory_space<vmem_shared>> -> memref<632x128xf32, #tpu.memory_space<vmem_shared>>
      tpu.wait_dma2 semaphore(%run_scoped3A : memref<!tpu.dma_semaphore, #tpu.memory_space<semaphore_mem>>) src(%dma_wait3A_317 : memref<632x128xf32, #tpu.memory_space<vmem_shared>>) dst(%dma_wait3A_315 : memref<632x128xf32, #tpu.memory_space<hbm>>)
      tpu.yield
    }) : () -> ()
    "tpu.region"() ({
      %run_scoped3A = tpu.sem_alloc : memref<!tpu.dma_semaphore, #tpu.memory_space<semaphore_mem>>
      %dma_start3A_302 = arith.constant 0 : i32
      %dma_start3A_303 = tpu.memref_slice %arg8[%add3A, %dma_start3A_302] : memref<32x10112xf32, #tpu.memory_space<hbm>> -> memref<1x10112xf32, #tpu.memory_space<hbm>>
      %dma_start3A_304 = tpu.memref_squeeze %dma_start3A_303 : memref<1x10112xf32, #tpu.memory_space<hbm>> -> memref<10112xf32, #tpu.memory_space<hbm>>
      %dma_start3A_305 = arith.constant 0 : i32
      %dma_start3A_306 = tpu.memref_slice %arg8[%add3A, %dma_start3A_305] : memref<32x10112xf32, #tpu.memory_space<hbm>> -> memref<1x10112xf32, #tpu.memory_space<hbm>>
      %dma_start3A_307 = tpu.memref_squeeze %dma_start3A_306 : memref<1x10112xf32, #tpu.memory_space<hbm>> -> memref<10112xf32, #tpu.memory_space<hbm>>
      tpu.enqueue_dma source(%arg12 : memref<10112xf32, #tpu.memory_space<vmem>>) target(%dma_start3A_307 : memref<10112xf32, #tpu.memory_space<hbm>>) target_semaphore(%run_scoped3A : memref<!tpu.dma_semaphore, #tpu.memory_space<semaphore_mem>>)
      %dma_wait3A_308 = arith.constant 0 : i32
      %dma_wait3A_309 = tpu.memref_slice %arg8[%add3A, %dma_wait3A_308] : memref<32x10112xf32, #tpu.memory_space<hbm>> -> memref<1x10112xf32, #tpu.memory_space<hbm>>
      %dma_wait3A_310 = tpu.memref_squeeze %dma_wait3A_309 : memref<1x10112xf32, #tpu.memory_space<hbm>> -> memref<10112xf32, #tpu.memory_space<hbm>>
      %dma_wait3A_311 = arith.constant 0 : i32
      %dma_wait3A_312 = tpu.memref_slice %arg8[%add3A, %dma_wait3A_311] : memref<32x10112xf32, #tpu.memory_space<hbm>> -> memref<1x10112xf32, #tpu.memory_space<hbm>>
      %dma_wait3A_313 = tpu.memref_squeeze %dma_wait3A_312 : memref<1x10112xf32, #tpu.memory_space<hbm>> -> memref<10112xf32, #tpu.memory_space<hbm>>
      tpu.wait_dma2 semaphore(%run_scoped3A : memref<!tpu.dma_semaphore, #tpu.memory_space<semaphore_mem>>) src(%arg12 : memref<10112xf32, #tpu.memory_space<vmem>>) dst(%dma_wait3A_313 : memref<10112xf32, #tpu.memory_space<hbm>>)
      tpu.yield
    }) : () -> ()
    return
  }
}

module attributes {stable_mosaic.version = 14 : i64} {
  func.func @_tc_update(%arg0: memref<2x10112x128xf32, #tpu.memory_space<vmem>>, %arg1: memref<10112x32xf32, #tpu.memory_space<vmem>>, %arg2: memref<10112x1xf32, #tpu.memory_space<vmem>>, %arg3: memref<128x128xf32, #tpu.memory_space<vmem>>, %arg4: memref<1x128xf32, #tpu.memory_space<vmem>>, %arg5: memref<10112x128xf32, #tpu.memory_space<vmem>>) attributes {dimension_semantics = [], scalar_prefetch = 0 : i64, scratch_operands = 0 : i64, tpu.core_type = #tpu.core_type<tc>} {
    %get3A = arith.constant 0 : index
    %get3A_0 = arith.constant 0 : index
    %get3A_1 = arith.constant 0 : index
    %get3A_2 = vector.load %arg0[%get3A, %get3A_0, %get3A_1] : memref<2x10112x128xf32, #tpu.memory_space<vmem>>, vector<1x10112x128xf32>
    %get3A_3 = vector.shape_cast %get3A_2 : vector<1x10112x128xf32> to vector<10112x128xf32>
    %get3A_4 = arith.constant 1 : index
    %get3A_5 = arith.constant 0 : index
    %get3A_6 = arith.constant 0 : index
    %get3A_7 = vector.load %arg0[%get3A_4, %get3A_5, %get3A_6] : memref<2x10112x128xf32, #tpu.memory_space<vmem>>, vector<1x10112x128xf32>
    %get3A_8 = vector.shape_cast %get3A_7 : vector<1x10112x128xf32> to vector<10112x128xf32>
    %add3A = arith.addf %get3A_3, %get3A_8 : vector<10112x128xf32>
    %get3A_9 = arith.constant 0 : index
    %get3A_10 = arith.constant 0 : index
    %get3A_11 = vector.load %arg1[%get3A_9, %get3A_10] : memref<10112x32xf32, #tpu.memory_space<vmem>>, vector<10112x32xf32>
    %reduce_sum3A = arith.constant dense<0.000000e+00> : vector<10112xf32>
    %reduce_sum3A_12 = vector.multi_reduction <add>, %get3A_11, %reduce_sum3A [1] : vector<10112x32xf32> to vector<10112xf32>
    %broadcast_in_dim3A = vector.shape_cast %reduce_sum3A_12 : vector<10112xf32> to vector<10112x1xf32>
    %gt3A = arith.constant 0.000000e+00 : f32
    %gt3A_13 = vector.broadcast %gt3A : f32 to vector<10112x1xf32>
    %gt3A_14 = arith.cmpf ogt, %broadcast_in_dim3A, %gt3A_13 : vector<10112x1xf32>
    %jit3A = arith.constant 1.000000e+00 : f32
    %broadcast_in_dim3A_15 = vector.broadcast %jit3A : f32 to vector<10112x1xf32>
    %select_n3A = arith.select %gt3A_14, %broadcast_in_dim3A, %broadcast_in_dim3A_15 : vector<10112x1xi1>, vector<10112x1xf32>
    %div3A = arith.constant 1.000000e+00 : f32
    %div3A_16 = vector.broadcast %div3A : f32 to vector<10112x1xf32>
    %div3A_17 = arith.divf %div3A_16, %select_n3A : vector<10112x1xf32>
    %jit3A_18 = arith.constant 0.000000e+00 : f32
    %broadcast_in_dim3A_19 = vector.broadcast %jit3A_18 : f32 to vector<10112x1xf32>
    %select_n3A_20 = arith.select %gt3A_14, %div3A_17, %broadcast_in_dim3A_19 : vector<10112x1xi1>, vector<10112x1xf32>
    %mul3A = vector.broadcast %select_n3A_20 : vector<10112x1xf32> to vector<10112x128xf32>
    %mul3A_21 = arith.mulf %add3A, %mul3A : vector<10112x128xf32>
    %get3A_22 = arith.constant 0 : index
    %get3A_23 = arith.constant 0 : index
    %get3A_24 = vector.load %arg3[%get3A_22, %get3A_23] : memref<128x128xf32, #tpu.memory_space<vmem>>, vector<128x128xf32>
    %dot_general3A = arith.constant dense<0.000000e+00> : vector<10112x128xf32>
    %dot_general3A_25 = tpu.matmul %mul3A_21, %get3A_24, %dot_general3A {dimension_numbers = #tpu.dot_dimension_numbers<[1], [0], [0], [1], [0, 0, 1, 1], [], []>, transpose_lhs_hint = false} : vector<10112x128xf32>, vector<128x128xf32>, vector<10112x128xf32> -> vector<10112x128xf32>
    %get3A_26 = arith.constant 0 : index
    %get3A_27 = arith.constant 0 : index
    %get3A_28 = vector.load %arg4[%get3A_26, %get3A_27] : memref<1x128xf32, #tpu.memory_space<vmem>>, vector<1x128xf32>
    %add3A_29 = vector.broadcast %get3A_28 : vector<1x128xf32> to vector<10112x128xf32>
    %add3A_30 = arith.addf %dot_general3A_25, %add3A_29 : vector<10112x128xf32>
    %jit3A_31 = arith.constant 0.000000e+00 : f32
    %broadcast_in_dim3A_32 = vector.shape_cast %gt3A_14 : vector<10112x1xi1> to vector<10112x1xi1>
    %broadcast_in_dim3A_33 = vector.broadcast %broadcast_in_dim3A_32 : vector<10112x1xi1> to vector<10112x128xi1>
    %broadcast_in_dim3A_34 = vector.broadcast %jit3A_31 : f32 to vector<10112x128xf32>
    %select_n3A_35 = arith.select %broadcast_in_dim3A_33, %add3A_30, %broadcast_in_dim3A_34 : vector<10112x128xi1>, vector<10112x128xf32>
    %get3A_36 = arith.constant 0 : index
    %get3A_37 = arith.constant 0 : index
    %get3A_38 = vector.load %arg2[%get3A_36, %get3A_37] : memref<10112x1xf32, #tpu.memory_space<vmem>>, vector<10112x1xf32>
    %mul3A_39 = vector.broadcast %get3A_38 : vector<10112x1xf32> to vector<10112x128xf32>
    %mul3A_40 = arith.mulf %mul3A_39, %select_n3A_35 : vector<10112x128xf32>
    %max3A = arith.constant 0.000000e+00 : f32
    %max3A_41 = vector.broadcast %max3A : f32 to vector<10112x128xf32>
    %max3A_42 = arith.maximumf %mul3A_40, %max3A_41 : vector<10112x128xf32>
    %swap3A = arith.constant 0 : index
    %swap3A_43 = arith.constant 0 : index
    %swap3A_44 = vector.load %arg5[%swap3A, %swap3A_43] : memref<10112x128xf32, #tpu.memory_space<vmem>>, vector<10112x128xf32>
    tpu.vector_store %arg5[%swap3A, %swap3A_43], %max3A_42 {strides = array<i32>} : memref<10112x128xf32, #tpu.memory_space<vmem>>, vector<10112x128xf32>,
    return
  }
}

</mosaic_0001>

<sc_bundles>
// kernel: closed_call.9.cloned.1.call-start
scs
__scs_entry_jumppad:
0x0: {  	(pc) =	sbr.rel $0x88, $3  }
0x1: {  	(tag) =	ssettag $0x0;
	lr =	simm.s32 $0x1  }
0x2: {  	[smem:$0x3F99] =	sst lr;
	_ =	strace $0xD0000000  }
0x3: {  	_ = 	snop  }
0x4: {  	_ = 	snop  }
0x5: {  	_ = 	snop  }
0x6: {  	_ = 	snop  }
0x7: {  	_ = 	snop  }
__scs_overlays_trampoline_lowered:
0x8: {  	[smem:$0x3FA8] =	sst s0  }
0x9: {  	[smem:$0x3FA9] =	sst s1  }
0xa: {  	[smem:$0x3FAA] =	sst s2  }
0xb: {  	[smem:$0x3FAB] =	sst s3  }
0xc: {  	[smem:$0x3FAC] =	sst s4  }
0xd: {  	[smem:$0x3FAD] =	sst s5  }
0xe: {  	[smem:$0x3FAE] =	sst s6  }
0xf: {  	[smem:$0x3FAF] =	sst s7  }
0x10: {  	[smem:$0x3FB0] =	sst s8  }
0x11: {  	[smem:$0x3FB1] =	sst s9;
	s0 =	simm.s32 @!p0 $0x0  }
0x12: {  	s1 =	sld [smem:$0x3F97];
	s0 =	simm.s32 @p0 $0x1  }
0x13: {  	[smem:$0x3FB2] =	sst s0;
	s0 =	simm.s32 @!p1 $0x0  }
0x14: {  	s2 =	sld [smem:$0x3F96];
	s0 =	simm.s32 @p1 $0x1  }
0x15: {  	[smem:$0x3FB3] =	sst s0;
	s0 =	simm.s32 @!p2 $0x0  }
0x16: {  	s3 =	sld [smem:$0x3FDB];
	s0 =	simm.s32 @p2 $0x1  }
0x17: {  	s4 =	simm.s32 $0x1BF5;
	[smem:$0x3FB5] =	sst s0  }
0x18: {  	s0 =	sld [smem:$0x3F98];
	_ =	swait.ge [sflag:s4], $0x0  }
0x19: {  	s7 =	sld [smem:$0x3F99]  }
0x1a: {  	s8 =	sadd.s32 $0xFFFFE003, lr  }
0x1b: {  	s9 =	sadd.s32 $0xFFFFFEF7, lr;
	s5 =	simm.s32 $0xFFFFFFFF;
	p2 =	slt.u32 s8, $0xFFFFF086  }
0x1c: {  	p1 =	slt.u32 s9, $0xF7A;
	s5 =	simm.s32 @!p2 $0x0  }
0x1d: {  	s5 =	simm.s32 @p1 $0x1;
	p0 =	seq.s32 s7, s2  }
0x1e: {  	s7 =	smul.u32 @!p0 $0xF7A, s2;
	p2 =	seq.s32 @!p0 s5, $0x0  }
0x1f: {  	s9 =	smul.u32 $0xF7A, s1;
	s8 =	simm.s32 @!p0 $0x1BF5;
	p2 =	por !p2, p0  }
0x20: {  	[sflag:s8] =	ssyncset.s32 @!p0 $0xFFFFF086;
	s6 =	sadd.s32 @!p0 s3, s7;
	s7 =	simm.s32 @!p0 $0x108  }
0x21: {  	s3 =	sadd.s32 s3, s9;
	s6 =	sadd.s32 @!p0 $0x88, s6;
	s7 =	simm.s32 @p2 $0x1082  }
0x22: {  	[simem:s7], [sflag:s8] =	dma.local @!p0 [hbm:s6], $0xF7A  }
0x23: {  	s9 =	sor.u32 $0xD0000000, s2;
	s6 =	simm.s32 $0x108;
	_ =	swait.ge @!p0 [sflag:s8], $0x0  }
0x24: {  	s3 =	sadd.s32 $0x88, s3;
	s6 =	simm.s32 @!p1 $0x1082;
	[sflag:s4] =	ssyncset.s32 $0xFFFFF086  }
0x25: {  	[simem:s6], [sflag:s4] =	dma.local [hbm:s3], $0xF7A  }
0x26: {  	[smem:$0x3F99] =	sst s1;
	(tag) =	ssettag s2;
	_ =	strace s9  }
0x27: {  	s1 =	sld [smem:$0x3FA9]  }
0x28: {  	s2 =	sld [smem:$0x3FAA]  }
0x29: {  	s4 =	sld [smem:$0x3FAC]  }
0x2a: {  	p0 =	seq.s32 s5, $0x0;
	s5 =	sld [smem:$0x3FAD]  }
0x2b: {  	s6 =	sld [smem:$0x3FAE]  }
0x2c: {  	s7 =	sld [smem:$0x3FAF]  }
0x2d: {  	s3 =	simm.s32 $0x108;
	s8 =	sld [smem:$0x3FB0]  }
0x2e: {  	s3 =	simm.s32 @!p0 $0x1082;
	s9 =	sld [smem:$0x3FB1]  }
0x2f: {  	lr =	sadd.s32 s0, s3;
	s0 =	sld [smem:$0x3FA8]  }
0x30: {  	s3 =	sld [smem:$0x3FAB]  }
0x31: {  	[smem:$0x3FB4] =	sst s10  }
0x32: {  	s10 =	sld [smem:$0x3FB2];
	_ =	sdelay $0x3  }
0x33: {  	p0 =	seq.s32 s10, $0x1;
	s10 =	sld [smem:$0x3FB4];
	_ =	sdelay $0x3  }
0x34: {  	[smem:$0x3FB4] =	sst s10  }
0x35: {  	s10 =	sld [smem:$0x3FB3];
	_ =	sdelay $0x3  }
0x36: {  	p1 =	seq.s32 s10, $0x1;
	s10 =	sld [smem:$0x3FB4];
	_ =	sdelay $0x3  }
0x37: {  	[smem:$0x3FB4] =	sst s10  }
0x38: {  	s10 =	sld [smem:$0x3FB5]  }
0x39: {  	_ = 	snop;
	(pc) =	sbr.ind lr, $3  }
0x3a: {  	_ = 	snop  }
0x3b: {  	_ = 	snop  }
0x3c: {  	p2 =	seq.s32 s10, $0x1;
	s10 =	sld [smem:$0x3FB4]  }
0x3d: {  	_ =	shalt  }
0x3e: {  	_ =	shalt  }
0x3f: {  	_ =	shalt  }
0x40: {  	_ =	shalt  }
0x41: {  	_ =	shalt  }
0x42: {  	_ =	shalt  }
0x43: {  	_ =	shalt  }
0x44: {  	_ =	shalt  }
0x45: {  	_ =	shalt  }
0x46: {  	_ =	shalt  }
0x47: {  	_ =	shalt  }
0x48: {  	_ =	shalt  }
0x49: {  	_ =	shalt  }
0x4a: {  	_ =	shalt  }
0x4b: {  	_ =	shalt  }
0x4c: {  	_ =	shalt  }
0x4d: {  	_ =	shalt  }
0x4e: {  	_ =	shalt  }
0x4f: {  	_ =	shalt  }
0x50: {  	_ =	shalt  }
0x51: {  	_ =	shalt  }
0x52: {  	_ =	shalt  }
0x53: {  	_ =	shalt  }
0x54: {  	_ =	shalt  }
0x55: {  	_ =	shalt  }
0x56: {  	_ =	shalt  }
0x57: {  	_ =	shalt  }
0x58: {  	_ =	shalt  }
0x59: {  	_ =	shalt  }
0x5a: {  	_ =	shalt  }
0x5b: {  	_ =	shalt  }
0x5c: {  	_ =	shalt  }
0x5d: {  	_ =	shalt  }
0x5e: {  	_ =	shalt  }
0x5f: {  	_ =	shalt  }
0x60: {  	_ =	shalt  }
0x61: {  	_ =	shalt  }
0x62: {  	_ =	shalt  }
0x63: {  	_ =	shalt  }
0x64: {  	_ =	shalt  }
0x65: {  	_ =	shalt  }
0x66: {  	_ =	shalt  }
0x67: {  	_ =	shalt  }
0x68: {  	_ =	shalt  }
0x69: {  	_ =	shalt  }
0x6a: {  	_ =	shalt  }
0x6b: {  	_ =	shalt  }
0x6c: {  	_ =	shalt  }
0x6d: {  	_ =	shalt  }
0x6e: {  	_ =	shalt  }
0x6f: {  	_ =	shalt  }
0x70: {  	_ =	shalt  }
0x71: {  	_ =	shalt  }
0x72: {  	_ =	shalt  }
0x73: {  	_ =	shalt  }
0x74: {  	_ =	shalt  }
0x75: {  	_ =	shalt  }
0x76: {  	_ =	shalt  }
0x77: {  	_ =	shalt  }
0x78: {  	_ =	shalt  }
0x79: {  	_ =	shalt  }
0x7a: {  	_ =	shalt  }
0x7b: {  	_ =	shalt  }
0x7c: {  	_ =	shalt  }
0x7d: {  	_ =	shalt  }
0x7e: {  	_ =	shalt  }
0x7f: {  	_ =	shalt  }
0x80: {  	_ =	shalt  }
0x81: {  	_ =	shalt  }
0x82: {  	_ =	shalt  }
0x83: {  	_ =	shalt  }
0x84: {  	_ =	shalt  }
0x85: {  	_ =	shalt  }
0x86: {  	_ =	shalt  }
0x87: {  	_ =	shalt  }
.Lfunc_end0:
.L_simem_size_0:
called_computation_lowered:
.L_overlay_start_0:
0x88: {  	s2 =	sld [smem:$0x3FD9]  }
0x89: {  	s3 =	sld [smem:$0x3FFE];
	_ =	sdelay $0x1  }
0x8a: {  	s1 =	srdreg.scid  }
0x8b: {  	s0 =	sand.u32 $0x1, s1  }
0x8c: {  	s17 =	sshll.u32 s0, $0xA;
	s2 =	sadd.s32 s3, s2  }
0x8d: {  	s2 =	sadd.s32 s2, s17  }
0x8e: {  	[smem:$0x3FC0] =	sst s2  }
0x8f: {  	_ = 	snop  }
0x90: {  	s2 =	sld [smem:$0x3FD0];
	(tm) =	ssettm $0x1  }
0x91: {  	s18 =	sld [smem:$0x3FFB];
	_ =	sdelay $0x3  }
0x92: {  	_ =	strace s18  }
0x93: {  	s3 =	sld [smem:$0x3FFC];
	_ =	sdelay $0x3  }
0x94: {  	_ =	strace s3  }
0x95: {  	s3 =	sld [smem:$0x3FFD];
	_ =	sdelay $0x3  }
0x96: {  	_ =	strace s3  }
0x97: {  	_ =	strace $0x8FFFFFFF  }
0x98: {  	s19 =	sld [smem:$0x3FDB];
	_ =	sdelay $0x1  }
0x99: {  	s4 =	simm.s32 $_scs_section_size  }
0x9a: {  	s5 =	simm.s32 $_size__tile_overlayer_lowered;
	s6 =	simm.s32 $_tile_overlayer_lowered  }
0x9b: {  	s22 =	simm.s32 $0x1BFF;
	s21 =	sshll.u32 s6, $0x1;
	s3 =	sadd.s32 s4, s19  }
0x9c: {  	s7 =	simm.s32 $0x0;
	s20 =	sshll.u32 s5, $0x1;
	s5 =	sadd.s32 s21, s3  }
0x9d: {  	[timem:s7], [sflag:s22] =	dma.local [hbm:s5], s20  }
0x9e: {  	_ =	swait.ge [sflag:s22], s20  }
0x9f: {  	s4 =	ssub.s32 $0x0, s20;
	[sflag:s22] =	ssyncset.done $0x0  }
0xa0: {  	[sflag:s22] =	ssyncadd.s32 s4;
	_ =	sdelay $0x1  }
0xa1: {  	s23 =	simm.s32 $0x1B8B  }
0xa2: {  	_ =	swait.ge [sflag:s23], $0x1  }
0xa3: {  	[sflag:s23] =	ssyncset.done $0x0  }
0xa4: {  	s25 =	simm.s32 $0x1B8E;
	s24 =	sld [smem:$0x3FFE];
	[sflag:s23] =	ssyncadd.s32 $0xFFFFFFFF  }
0xa5: {  	s26 =	simm.s32 $execute0_lowered;
	[smem:$0x3FD2] =	sst s25  }
0xa6: {  	s5 =	sshll.u32 s26, $0x1;
	_ =	strace $0x80000046;
	[dreg:$0x1] =	wrdreg $0xFFFFFFFF  }
0xa7: {  	s28 =	simm.s32 $_size_execute0_lowered;
	s3 =	sadd.s32 s3, s5;
	[dreg:$0x0] =	wrdreg $0x0  }
0xa8: {  	s5 =	sshll.u32 s28, $0x1;
	[dreg:$0x2] =	wrdreg s3  }
0xa9: {  	[dreg:$0x3] =	wrdreg s5  }
0xaa: {  	[dreg:$0x4] =	wrdreg $0xC0  }
0xab: {  	_ =	task [dreg:s7], $0x5FFFF  }
0xac: {  	[dreg:$0x1] =	wrdreg $0xFFFFFFFF  }
0xad: {  	[dreg:$0x0] =	wrdreg $0x60  }
0xae: {  	[dreg:$0x2] =	wrdreg s24  }
0xaf: {  	[dreg:$0x3] =	wrdreg s2  }
0xb0: {  	[dreg:$0x4] =	wrdreg $0xAB800  }
0xb1: {  	[dreg:$0x5] =	wrdreg $0x9  }
0xb2: {  	_ =	task.clear_ibuf [dreg:s7], $0x6FFFF;
	_ =	strace $0x90000046  }
0xb3: {  	s29 =	simm.s32 $0x9;
	_ =	strace $0x80000048  }
0xb4: {  	_ =	swait.ge [sflag:s29], $0x1  }
0xb5: {  	[sflag:s29] =	ssyncadd.s32 $0xFFFFFFFF  }
0xb6: {  	_ =	strace $0x90000048  }
0xb7: {  	_ =	sfence  }
0xb8: {  	s30 =	sld [smem:$0x0];
	_ =	sdelay $0x2  }
0xb9: {  	s31 =	sshll.u32 s1, $0xD;
	s1 =	sshrl.u32 s1, $0x2  }
0xba: {  	s3 =	sand.u32 $0x4000, s31;
	s1 =	sadd.s32 s1, s30  }
0xbb: {  	s0 =	sor.u32 s3, s0;
	s1 =	sshll.u32 s1, $0x11  }
0xbc: {  	s0 =	sor.u32 s1, s0  }
0xbd: {  	s0 =	sadd.s32 $0x8F2B, s0  }
0xbe: {  	[sflag:s0] =	ssyncadd.remote.s32 $0x1  }
0xbf: {  	_ =	sfence.sel $0xFFFF  }
0xc0: {  	[dreg:$0x0] =	wrdreg $0xFFFFFFFF;
	(pc) =	sbr.abs _section_cstart, $3  }
0xc1: {  	[dreg:$0x1] =	wrdreg $0xFFFFFFFF  }
0xc2: {  	_ =	task.clear_ibuf [dreg:s7], $0x2FFFF;
	_ =	strace $0x9FFFFFFF  }
0xc3: {  	(tm) =	ssettm $0x7FFFFFFF  }
tec
execute0_lowered:
.L_overlay_start_1:
0x0: {  	(tag) =	ssettag $0x1  }
0x1: {  	s0 =	rddreg [dreg:$0x0]  }
0x2: {  	s1 =	rddreg [dreg:$0x1];
	s3 =	srdreg.scid  }
0x3: {  	s14 =	stileid.u32;
	s2 =	rddreg [dreg:$0x2];
	s19 =	simm.s32 $0x280  }
0x4: {  	s28 =	simm.s32 $0x3;
	s29 =	simm.s32 $0x400;
	s30 =	simm.s32 $0x4  }
0x5: {  	s31 =	simm.s32 $0x4400;
	s5 =	sand.u32 $0x1, s3;
	s4 =	sshll.u32 s14, $0x1  }
0x6: {  	s3 =	simm.s32 $0x0;
	s9 =	smul.u32 $0x2780, s14;
	s10 =	sshrl.u32 s14, $0x2  }
0x7: {  	s12 =	sadd.s32 $0x5B800, s0;
	s15 =	smul.u32 $0x4F000, s14;
	s21 =	sshll.u32 s14, $0x6  }
0x8: {  	s6 =	sor.u32 s5, s4;
	[smem:$0x7FF] =	sst s3;
	s10 =	smul.u32 $0x13C00, s10  }
0x9: {  	s4 =	sadd.s32 $0x2800, s0;
	s13 =	smul.u32 $0x27800, s5;
	s5 =	ssub.s32 $0x2, s5  }
0xa: {  	s8 =	smul.u32 $0x500, s6;
	_ =	strace $0x80000047;
	s11 =	sadd.s32 s9, s0  }
0xb: {  	s6 =	sshll.u32 s6, $0x7;
	[dreg:$0x4] =	wrdreg s12;
	s16 =	sshrl.u32 s15, $0x2  }
0xc: {  	s15 =	simm.s32 $0x200;
	s6 =	sand.u32 $0x380, s6;
	s12 =	sadd.s32 s13, s0  }
0xd: {  	s13 =	sshrl.u32 s5, $0x1;
	s17 =	sadd.s32 $0x34000, s11;
	s11 =	simm.s32 $0x8400  }
0xe: {  	s7 =	sadd.s32 s8, s0;
	s6 =	sor.u32 s10, s6;
	s5 =	ssub.s32 s5, s13  }
0xf: {  	[dreg:$0x5] =	wrdreg s17;
	s8 =	sadd.s32 s1, s8;
	s18 =	sadd.s32 $0x65C00, s12  }
0x10: {  	s12 =	simm.s32 $0x7;
	s13 =	sor.u32 $0x1C07, s21;
	s17 =	simm.s32 $0x80  }
0x11: {  	s21 =	simm.s32 $0x100;
	s1 =	simm.s32 $0x1;
	s6 =	sshrl.u32 s6, $0x3  }
0x12: {  	s7 =	sadd.s32 $0x2A000, s7;
	s20 =	smax.u32 s5, $0x1;
	s23 =	sadd.s32 $0x10, s8  }
0x13: {  	s25 =	sadd.s32 $0x20, s8;
	s26 =	sadd.s32 s9, s18;
	[dreg:$0x8] =	wrdreg s13  }
0x14: {  	s5 =	simm.s32 $0x2;
	s9 =	simm.s32 $0x0;
	[dreg:$0x7] =	wrdreg s20  }
0x15: {  	s0 =	sadd.s32 s6, s0;
	s6 =	sadd.s32 s16, s2;
	[dreg:$0xa] =	wrdreg s23  }
.Ltmp0:
0x16: {  	s22 =	sadd.s32 $0x10, s7;
	[dreg:$0xc] =	wrdreg s25;
	(pc) =	sbr.rel .LBB2_1-.Ltmp0, $4  }
0x17: {  	s24 =	sadd.s32 $0x20, s7;
	s23 =	simm.s32 $0x300;
	[dreg:$0xd] =	wrdreg s26  }
0x18: {  	s25 =	simm.s32 $0x180;
	s26 =	simm.s32 $0x380;
	[dreg:$0x9] =	wrdreg s22  }
0x19: {  	s0 =	sadd.s32 $0x5BE00, s0;
	s16 =	sshrl.u32 s6, $0x3;
	[dreg:$0xb] =	wrdreg s24  }
0x1a: {  	v0 =	vimm.f32 $1.000000000e+00;
	s6 =	simm.s32 $0x6;
	[dreg:$0x6] =	wrdreg s0;
	s0 =	simm.s32 $0x5  }
.LBB2_4:
0x1b: {  	[bflag:$0x0] =	sbarrier.arrive $0xFFFF  }
0x1c: {  	s13 =	rddreg [dreg:$0x8]  }
0x1d: {  	s10 =	rddreg [dreg:$0xd]  }
0x1e: {  	[hbm:s10], [sflag:s13] =	dma.local [spmem:s14], $0x2780  }
0x1f: {  	_ =	swait.ge [sflag:s12], $0x2780  }
0x20: {  	[sflag:s12] =	ssyncset.done $0x0  }
0x21: {  	s22 =	rddreg [dreg:$0x6];
	[sflag:s12] =	ssyncadd.s32 $0xFFFFD880  }
0x22: {  	[hbm4b:s22+s17] =	stream.strided.scatter [tilespmem:s11], [sflag:$0x7], $0x2780, s29, s17, $0x38;
	[tilespmem:$0x1E780] =	vst v63  }
0x23: {  	_ =	swait.ge [sflag:s12], $0x2780  }
0x24: {  	s9 =	sadd.s32 $0x1, s9;
	s24 =	rddreg [dreg:$0x7]  }
0x25: {  	p0 =	sne.s32 s9, s24  }
.Ltmp1:
0x26: {  	_ = 	snop;
	(pc) =	sbr.rel @!p0 .LBB2_5-.Ltmp1, $3  }
0x27: {  	_ =	sdelay $0x1  }
0x28: {  	[sflag:s12] =	ssyncset.done $0x0  }
0x29: {  	s16 =	smov.u32 s14;
	[sflag:s12] =	ssyncadd.s32 $0xFFFFD880  }
.LBB2_1:
0x2a: {  	s10 =	rddreg [dreg:$0x4]  }
0x2b: {  	[tilespmem:s11], [sflag:$0x7] =	stream.linear.gather [hbm4b:s10+s3], $0x2780, $0x38;
	[tilespmem:$0x1E780] =	vst v63  }
0x2c: {  	_ =	swait.ge [sflag:s12], $0x2780  }
0x2d: {  	[sflag:s12] =	ssyncset.done $0x0  }
0x2e: {  	s24 =	rddreg [dreg:$0x5];
	[sflag:s12] =	ssyncadd.s32 $0xFFFFD880  }
0x2f: {  	[spmem:s16], [sflag:s13] =	dma.local [hbm:s24], $0x2780  }
0x30: {  	_ =	swait.ge [sflag:s12], $0x2780  }
0x31: {  	[sflag:s12] =	ssyncset.done $0x0  }
0x32: {  	[sflag:s12] =	ssyncadd.s32 $0xFFFFD880  }
0x33: {  	[bflag:$0x0] =	sbarrier.arrive $0xFFFF  }
0x34: {  	[tilespmem:s3], [sflag:$0x3] =	stream.linear.gather [hbm4b:s7+s3], $0x80, $0x38;
	[tilespmem:$0x1E780] =	vst v63  }
0x35: {  	_ = 	snop  }
0x36: {  	[tilespmem:s15], [sflag:$0x3] =	stream.linear.gather [hbm4b:s8+s3], $0x80, $0x38;
	[tilespmem:$0x1E780] =	vst v63  }
0x37: {  	s13 =	rddreg [dreg:$0x9]  }
0x38: {  	[tilespmem:s17], [sflag:$0x4] =	stream.linear.gather [hbm4b:s13+s3], $0x80, $0x38;
	[tilespmem:$0x1E780] =	vst v63  }
0x39: {  	s14 =	smov.u32 s16;
	s16 =	rddreg [dreg:$0xa]  }
0x3a: {  	[tilespmem:s19], [sflag:$0x4] =	stream.linear.gather [hbm4b:s16+s3], $0x80, $0x38;
	[tilespmem:$0x1E780] =	vst v63  }
0x3b: {  	s18 =	rddreg [dreg:$0xb]  }
0x3c: {  	[tilespmem:s21], [sflag:$0x5] =	stream.linear.gather [hbm4b:s18+s3], $0x80, $0x38;
	[tilespmem:$0x1E780] =	vst v63  }
0x3d: {  	s20 =	rddreg [dreg:$0xc]  }
0x3e: {  	[tilespmem:s23], [sflag:$0x5] =	stream.linear.gather [hbm4b:s20+s3], $0x80, $0x38;
	[tilespmem:$0x1E780] =	vst v63  }
0x3f: {  	s22 =	sadd.s32 $0x30, s7  }
0x40: {  	[tilespmem:s25], [sflag:$0x6] =	stream.linear.gather [hbm4b:s22+s3], $0x80, $0x38;
	[tilespmem:$0x1E780] =	vst v63  }
0x41: {  	s24 =	sadd.s32 $0x30, s8  }
0x42: {  	[tilespmem:s26], [sflag:$0x6] =	stream.linear.gather [hbm4b:s24+s3], $0x80, $0x38;
	[tilespmem:$0x1E780] =	vst v63  }
0x43: {  	_ =	swait.ge [sflag:s28], $0x80  }
0x44: {  	[sflag:s28] =	ssyncset.done $0x0  }
0x45: {  	[sflag:s28] =	ssyncadd.s32 $0xFFFFFF80  }
0x46: {  	_ =	swait.ge [sflag:s28], $0x80  }
0x47: {  	[sflag:s28] =	ssyncset.done $0x0  }
0x48: {  	[sflag:s28] =	ssyncadd.s32 $0xFFFFFF80  }
0x49: {  	[tilespmem:s29], [sflag:$0x1] =	stream.indirect.gather [hbm4b:s4+s17], $0x80, s3, s17, $0xb8;
	[tilespmem:$0x1E780] =	vst v63  }
0x4a: {  	_ =	swait.ge [sflag:s30], $0x80  }
0x4b: {  	[sflag:s30] =	ssyncset.done $0x0  }
0x4c: {  	[sflag:s30] =	ssyncadd.s32 $0xFFFFFF80  }
0x4d: {  	_ =	swait.ge [sflag:s30], $0x80  }
0x4e: {  	[sflag:s30] =	ssyncset.done $0x0  }
0x4f: {  	s10 =	simm.s32 $0x0;
	[sflag:s30] =	ssyncadd.s32 $0xFFFFFF80  }
0x50: {  	[tilespmem:s31], [sflag:$0x2] =	stream.indirect.gather [hbm4b:s4+s17], $0x80, s17, s17, $0xb8;
	[tilespmem:$0x1E780] =	vst v63  }
.LBB2_2:
0x51: {  	v1 =	vld [tilespmem:$0x200];
	_ =	sdelay $0x7  }
0x52: {  	[tilespmem:v1+s11+$0x0] =	vst.idx.add.f32.msk $0xffff, v0  }
0x53: {  	v1 =	vld [tilespmem:$0x210];
	_ =	sdelay $0x7  }
0x54: {  	[tilespmem:v1+s11+$0x0] =	vst.idx.add.f32.msk $0xffff, v0  }
0x55: {  	v1 =	vld [tilespmem:$0x220];
	_ =	sdelay $0x7  }
0x56: {  	[tilespmem:v1+s11+$0x0] =	vst.idx.add.f32.msk $0xffff, v0  }
0x57: {  	v1 =	vld [tilespmem:$0x230];
	_ =	sdelay $0x7  }
0x58: {  	[tilespmem:v1+s11+$0x0] =	vst.idx.add.f32.msk $0xffff, v0  }
0x59: {  	v1 =	vld [tilespmem:$0x240];
	_ =	sdelay $0x7  }
0x5a: {  	[tilespmem:v1+s11+$0x0] =	vst.idx.add.f32.msk $0xffff, v0  }
0x5b: {  	v1 =	vld [tilespmem:$0x250];
	_ =	sdelay $0x7  }
0x5c: {  	[tilespmem:v1+s11+$0x0] =	vst.idx.add.f32.msk $0xffff, v0  }
0x5d: {  	v1 =	vld [tilespmem:$0x260];
	_ =	sdelay $0x7  }
0x5e: {  	[tilespmem:v1+s11+$0x0] =	vst.idx.add.f32.msk $0xffff, v0  }
0x5f: {  	v1 =	vld [tilespmem:$0x270];
	_ =	sdelay $0x7  }
0x60: {  	[tilespmem:v1+s11+$0x0] =	vst.idx.add.f32.msk $0xffff, v0  }
0x61: {  	_ =	swait.ge [sflag:s1], $0x4000  }
0x62: {  	[sflag:s1] =	ssyncset.done $0x0  }
0x63: {  	[sflag:s1] =	ssyncadd.s32 $0xFFFFC000  }
0x64: {  	[spmem:s2] =	stream.indirect.scatter.add.f32 [tilespmem:s29], [sflag:$0x7], $0x80, s15, s17, $0xb8;
	[tilespmem:$0x1E780] =	vst v63  }
0x65: {  	p0 =	seq.s32 s10, $0x4C0;
	_ =	swait.ge [sflag:s12], $0x4000  }
0x66: {  	s18 =	sadd.s32 @!p0 s10, s7;
	[sflag:s12] =	ssyncset.done $0x0  }
0x67: {  	s16 =	simm.s32 @!p0 $0x0;
	s20 =	sadd.s32 @!p0 $0x40, s18;
	[sflag:s12] =	ssyncadd.s32 $0xFFFFC000  }
0x68: {  	[tilespmem:s16], [sflag:$0x3] =	stream.linear.gather @!p0 [hbm4b:s20+s16], $0x80, $0x38;
	[tilespmem:$0x1E780] =	vst v63  }
0x69: {  	s20 =	sadd.s32 @!p0 s10, s8  }
0x6a: {  	s24 =	simm.s32 @!p0 $0x200;
	s22 =	sadd.s32 @!p0 $0x40, s20  }
0x6b: {  	[tilespmem:s24], [sflag:$0x3] =	stream.linear.gather @!p0 [hbm4b:s22+s16], $0x80, $0x38;
	[tilespmem:$0x1E780] =	vst v63  }
0x6c: {  	_ =	swait.ge [sflag:s0], $0x80  }
0x6d: {  	[sflag:s0] =	ssyncset.done $0x0  }
0x6e: {  	[sflag:s0] =	ssyncadd.s32 $0xFFFFFF80  }
0x6f: {  	_ =	swait.ge [sflag:s0], $0x80  }
0x70: {  	[sflag:s0] =	ssyncset.done $0x0  }
0x71: {  	[sflag:s0] =	ssyncadd.s32 $0xFFFFFF80  }
0x72: {  	[tilespmem:s29], [sflag:$0x1] =	stream.indirect.gather [hbm4b:s4+s17], $0x80, s21, s17, $0xb8;
	[tilespmem:$0x1E780] =	vst v63  }
0x73: {  	v1 =	vld [tilespmem:$0x280];
	_ =	sdelay $0x7  }
0x74: {  	[tilespmem:v1+s11+$0x0] =	vst.idx.add.f32.msk $0xffff, v0  }
0x75: {  	v1 =	vld [tilespmem:$0x290];
	_ =	sdelay $0x7  }
0x76: {  	[tilespmem:v1+s11+$0x0] =	vst.idx.add.f32.msk $0xffff, v0  }
0x77: {  	v1 =	vld [tilespmem:$0x2A0];
	_ =	sdelay $0x7  }
0x78: {  	[tilespmem:v1+s11+$0x0] =	vst.idx.add.f32.msk $0xffff, v0  }
0x79: {  	v1 =	vld [tilespmem:$0x2B0];
	_ =	sdelay $0x7  }
0x7a: {  	[tilespmem:v1+s11+$0x0] =	vst.idx.add.f32.msk $0xffff, v0  }
0x7b: {  	v1 =	vld [tilespmem:$0x2C0];
	_ =	sdelay $0x7  }
0x7c: {  	[tilespmem:v1+s11+$0x0] =	vst.idx.add.f32.msk $0xffff, v0  }
0x7d: {  	v1 =	vld [tilespmem:$0x2D0];
	_ =	sdelay $0x7  }
0x7e: {  	[tilespmem:v1+s11+$0x0] =	vst.idx.add.f32.msk $0xffff, v0  }
0x7f: {  	v1 =	vld [tilespmem:$0x2E0];
	_ =	sdelay $0x7  }
0x80: {  	[tilespmem:v1+s11+$0x0] =	vst.idx.add.f32.msk $0xffff, v0  }
0x81: {  	v1 =	vld [tilespmem:$0x2F0];
	_ =	sdelay $0x7  }
0x82: {  	[tilespmem:v1+s11+$0x0] =	vst.idx.add.f32.msk $0xffff, v0  }
0x83: {  	_ =	swait.ge [sflag:s5], $0x4000  }
0x84: {  	[sflag:s5] =	ssyncset.done $0x0  }
0x85: {  	[sflag:s5] =	ssyncadd.s32 $0xFFFFC000  }
0x86: {  	[spmem:s2] =	stream.indirect.scatter.add.f32 [tilespmem:s31], [sflag:$0x7], $0x80, s19, s17, $0xb8;
	[tilespmem:$0x1E780] =	vst v63  }
0x87: {  	_ =	swait.ge [sflag:s12], $0x4000  }
0x88: {  	[sflag:s12] =	ssyncset.done $0x0  }
0x89: {  	s22 =	sadd.s32 @!p0 $0x50, s18;
	s24 =	simm.s32 @!p0 $0x80;
	[sflag:s12] =	ssyncadd.s32 $0xFFFFC000  }
0x8a: {  	[tilespmem:s24], [sflag:$0x4] =	stream.linear.gather @!p0 [hbm4b:s22+s16], $0x80, $0x38;
	[tilespmem:$0x1E780] =	vst v63  }
0x8b: {  	s13 =	simm.s32 @!p0 $0x280;
	s22 =	sadd.s32 @!p0 $0x50, s20  }
0x8c: {  	[tilespmem:s13], [sflag:$0x4] =	stream.linear.gather @!p0 [hbm4b:s22+s16], $0x80, $0x38;
	[tilespmem:$0x1E780] =	vst v63  }
0x8d: {  	_ =	swait.ge [sflag:s6], $0x80  }
0x8e: {  	[sflag:s6] =	ssyncset.done $0x0  }
0x8f: {  	[sflag:s6] =	ssyncadd.s32 $0xFFFFFF80  }
0x90: {  	_ =	swait.ge [sflag:s6], $0x80  }
0x91: {  	[sflag:s6] =	ssyncset.done $0x0  }
0x92: {  	[sflag:s6] =	ssyncadd.s32 $0xFFFFFF80  }
0x93: {  	[tilespmem:s31], [sflag:$0x2] =	stream.indirect.gather [hbm4b:s4+s17], $0x80, s25, s17, $0xb8;
	[tilespmem:$0x1E780] =	vst v63  }
0x94: {  	v1 =	vld [tilespmem:$0x300];
	_ =	sdelay $0x7  }
0x95: {  	[tilespmem:v1+s11+$0x0] =	vst.idx.add.f32.msk $0xffff, v0  }
0x96: {  	v1 =	vld [tilespmem:$0x310];
	_ =	sdelay $0x7  }
0x97: {  	[tilespmem:v1+s11+$0x0] =	vst.idx.add.f32.msk $0xffff, v0  }
0x98: {  	v1 =	vld [tilespmem:$0x320];
	_ =	sdelay $0x7  }
0x99: {  	[tilespmem:v1+s11+$0x0] =	vst.idx.add.f32.msk $0xffff, v0  }
0x9a: {  	v1 =	vld [tilespmem:$0x330];
	_ =	sdelay $0x7  }
0x9b: {  	[tilespmem:v1+s11+$0x0] =	vst.idx.add.f32.msk $0xffff, v0  }
0x9c: {  	v1 =	vld [tilespmem:$0x340];
	_ =	sdelay $0x7  }
0x9d: {  	[tilespmem:v1+s11+$0x0] =	vst.idx.add.f32.msk $0xffff, v0  }
0x9e: {  	v1 =	vld [tilespmem:$0x350];
	_ =	sdelay $0x7  }
0x9f: {  	[tilespmem:v1+s11+$0x0] =	vst.idx.add.f32.msk $0xffff, v0  }
0xa0: {  	v1 =	vld [tilespmem:$0x360];
	_ =	sdelay $0x7  }
0xa1: {  	[tilespmem:v1+s11+$0x0] =	vst.idx.add.f32.msk $0xffff, v0  }
0xa2: {  	v1 =	vld [tilespmem:$0x370];
	_ =	sdelay $0x7  }
0xa3: {  	[tilespmem:v1+s11+$0x0] =	vst.idx.add.f32.msk $0xffff, v0  }
0xa4: {  	_ =	swait.ge [sflag:s1], $0x4000  }
0xa5: {  	[sflag:s1] =	ssyncset.done $0x0  }
0xa6: {  	[sflag:s1] =	ssyncadd.s32 $0xFFFFC000  }
0xa7: {  	[spmem:s2] =	stream.indirect.scatter.add.f32 [tilespmem:s29], [sflag:$0x7], $0x80, s23, s17, $0xb8;
	[tilespmem:$0x1E780] =	vst v63  }
0xa8: {  	_ =	swait.ge [sflag:s12], $0x4000  }
0xa9: {  	[sflag:s12] =	ssyncset.done $0x0  }
0xaa: {  	s13 =	sadd.s32 @!p0 $0x60, s18;
	s18 =	simm.s32 @!p0 $0x100;
	[sflag:s12] =	ssyncadd.s32 $0xFFFFC000  }
0xab: {  	[tilespmem:s18], [sflag:$0x5] =	stream.linear.gather @!p0 [hbm4b:s13+s16], $0x80, $0x38;
	[tilespmem:$0x1E780] =	vst v63  }
0xac: {  	s13 =	sadd.s32 @!p0 $0x60, s20;
	s18 =	simm.s32 @!p0 $0x300  }
0xad: {  	[tilespmem:s18], [sflag:$0x5] =	stream.linear.gather @!p0 [hbm4b:s13+s16], $0x80, $0x38;
	[tilespmem:$0x1E780] =	vst v63  }
0xae: {  	s13 =	simm.s32 @!p0 $0x3  }
0xaf: {  	_ =	swait.ge @!p0 [sflag:s13], $0x80  }
0xb0: {  	[sflag:s13] =	ssyncset.done @!p0 $0x0  }
0xb1: {  	[sflag:s13] =	ssyncadd.s32 @!p0 $0xFFFFFF80  }
0xb2: {  	_ =	swait.ge @!p0 [sflag:s13], $0x80  }
0xb3: {  	[sflag:s13] =	ssyncset.done @!p0 $0x0  }
0xb4: {  	[sflag:s13] =	ssyncadd.s32 @!p0 $0xFFFFFF80;
	s13 =	simm.s32 @!p0 $0x400  }
0xb5: {  	[tilespmem:s13], [sflag:$0x1] =	stream.indirect.gather @!p0 [hbm4b:s4+s24], $0x80, s16, s24, $0xb8;
	[tilespmem:$0x1E780] =	vst v63  }
0xb6: {  	v1 =	vld [tilespmem:$0x380];
	_ =	sdelay $0x7  }
0xb7: {  	[tilespmem:v1+s11+$0x0] =	vst.idx.add.f32.msk $0xffff, v0  }
0xb8: {  	v1 =	vld [tilespmem:$0x390];
	_ =	sdelay $0x7  }
0xb9: {  	[tilespmem:v1+s11+$0x0] =	vst.idx.add.f32.msk $0xffff, v0  }
0xba: {  	v1 =	vld [tilespmem:$0x3A0];
	_ =	sdelay $0x7  }
0xbb: {  	[tilespmem:v1+s11+$0x0] =	vst.idx.add.f32.msk $0xffff, v0  }
0xbc: {  	v1 =	vld [tilespmem:$0x3B0];
	_ =	sdelay $0x7  }
0xbd: {  	[tilespmem:v1+s11+$0x0] =	vst.idx.add.f32.msk $0xffff, v0  }
0xbe: {  	v1 =	vld [tilespmem:$0x3C0];
	_ =	sdelay $0x7  }
0xbf: {  	[tilespmem:v1+s11+$0x0] =	vst.idx.add.f32.msk $0xffff, v0  }
0xc0: {  	v1 =	vld [tilespmem:$0x3D0];
	_ =	sdelay $0x7  }
0xc1: {  	[tilespmem:v1+s11+$0x0] =	vst.idx.add.f32.msk $0xffff, v0  }
0xc2: {  	v1 =	vld [tilespmem:$0x3E0];
	_ =	sdelay $0x7  }
0xc3: {  	[tilespmem:v1+s11+$0x0] =	vst.idx.add.f32.msk $0xffff, v0  }
0xc4: {  	v1 =	vld [tilespmem:$0x3F0];
	_ =	sdelay $0x7  }
0xc5: {  	[tilespmem:v1+s11+$0x0] =	vst.idx.add.f32.msk $0xffff, v0  }
0xc6: {  	_ =	swait.ge [sflag:s5], $0x4000  }
0xc7: {  	[sflag:s5] =	ssyncset.done $0x0  }
.Ltmp2:
0xc8: {  	[sflag:s5] =	ssyncadd.s32 $0xFFFFC000;
	(pc) =	sbr.rel @p0 .LBB2_4-.Ltmp2, $4  }
0xc9: {  	[spmem:s2] =	stream.indirect.scatter.add.f32 [tilespmem:s31], [sflag:$0x7], $0x80, s26, s17, $0xb8;
	[tilespmem:$0x1E780] =	vst v63  }
0xca: {  	_ =	swait.ge [sflag:s12], $0x4000  }
0xcb: {  	[sflag:s12] =	ssyncset.done $0x0  }
0xcc: {  	[sflag:s12] =	ssyncadd.s32 $0xFFFFC000  }
0xcd: {  	s13 =	sadd.s32 s10, s7  }
0xce: {  	s24 =	sadd.s32 s10, s8;
	s13 =	sadd.s32 $0x70, s13  }
0xcf: {  	[tilespmem:s25], [sflag:$0x6] =	stream.linear.gather [hbm4b:s13+s3], $0x80, $0x38;
	[tilespmem:$0x1E780] =	vst v63  }
0xd0: {  	s13 =	sadd.s32 $0x70, s24  }
0xd1: {  	[tilespmem:s26], [sflag:$0x6] =	stream.linear.gather [hbm4b:s13+s3], $0x80, $0x38;
	[tilespmem:$0x1E780] =	vst v63  }
0xd2: {  	_ =	swait.ge [sflag:s30], $0x80  }
0xd3: {  	[sflag:s30] =	ssyncset.done $0x0  }
.Ltmp3:
0xd4: {  	[sflag:s30] =	ssyncadd.s32 $0xFFFFFF80;
	(pc) =	sbr.rel .LBB2_2-.Ltmp3, $4  }
0xd5: {  	_ =	swait.ge [sflag:s30], $0x80  }
0xd6: {  	[sflag:s30] =	ssyncset.done $0x0  }
0xd7: {  	s10 =	sadd.s32 $0x40, s10;
	[sflag:s30] =	ssyncadd.s32 $0xFFFFFF80  }
0xd8: {  	[tilespmem:s31], [sflag:$0x2] =	stream.indirect.gather [hbm4b:s4+s17], $0x80, s17, s17, $0xb8;
	[tilespmem:$0x1E780] =	vst v63  }
.LBB2_5:
0xd9: {  	_ =	sfence.sel $0x180000  }
0xda: {  	[bflag:$0x0] =	sbarrier.arrive $0xFFFF  }
0xdb: {  	_ =	strace $0x90000047  }
0xdc: {  	s0 =	stileid.u32;
	[bflag:$0x2] =	sbarrier.arrive $0xFFFF  }
0xdd: {  	p0 =	sne.s32 s0, $0x0;
	s0 =	rddreg [dreg:$0x3]  }
0xde: {  	s0 =	sadd.s32 @!p0 $0x100000, s0  }
0xdf: {  	[sflag:s0] =	ssyncadd.tile.s32 @!p0 $0x1;
	_ =	shalt  }
.Lfunc_end2:
_tile_overlayer_lowered:
.L_overlay_start_2:
0xe0: {  	(tag) =	ssettag $0x2  }
0xe1: {  	s0 =	rddreg [dreg:$0x0];
	s2 =	stileid.u32  }
0xe2: {  	s1 =	rddreg [dreg:$0x1];
	p0 =	sne.s32 s2, $0x0  }
0xe3: {  	s3 =	rddreg [dreg:$0x2];
	[bflag:$0x3] =	sbarrier.arrive $0xFFFF;
	s2 =	simm.s32 @!p0 $0x1C07  }
0xe4: {  	[timem:s3], [sflag:s2] =	dma.local @!p0 [hbm:s0], s1  }
0xe5: {  	s0 =	simm.s32 @!p0 $0x7  }
0xe6: {  	_ =	swait.ge @!p0 [sflag:s0], s1  }
0xe7: {  	s1 =	ssub.s32 @!p0 $0x0, s1;
	[sflag:s0] =	ssyncset.done @!p0 $0x0  }
0xe8: {  	[sflag:s0] =	ssyncadd.s32 @!p0 s1  }
0xe9: {  	[bflag:$0x3] =	sbarrier.arrive $0xFFFF  }
0xea: {  	_ =	shalt  }

</sc_bundles>
